<compile_context>
chip_gen: v7x
topology: tpu7x:2x2x1
jax: 0.10.2.dev20260603
libtpu: 0.0.44.dev20260713+nightly
codegen_flags: <defaults>
</compile_context>

<pallas_src>
import functools

import jax
import jax.numpy as jnp
from jax import lax
from jax.experimental import pallas as pl
from jax.experimental.pallas import tpu as pltpu
from jax.experimental.pallas import tpu_sc as plsc

NC, NS = 2, 16
NW = NC * NS
GW = 100
GPS = 2
NBUF = 3


@functools.partial(jax.jit, static_argnames=("B0", "B1", "D"))
def _sc_gather(tablep, idx, B0, B1, D):
    b0_per_w = B0 // NW
    b_per_w = b0_per_w * B1
    n = b0_per_w
    assert B1 == GW * GPS and n >= 8 and (n - 3) % 3 == 2
    idx3 = idx.reshape(NW, b_per_w // GW, GW)
    mesh = plsc.VectorSubcoreMesh(core_axis_name="c", subcore_axis_name="s")

    @functools.partial(
        pl.kernel,
        out_type=jax.ShapeDtypeStruct((B0, B1, 2 * D), jnp.float32),
        mesh=mesh,
        scratch_types=[
            pltpu.VMEM((b_per_w // GW, GW), jnp.int32),
            pltpu.VMEM((NBUF, B1, 2 * D), jnp.float32),
            pltpu.SemaphoreType.DMA,
            pltpu.SemaphoreType.DMA,
            pltpu.SemaphoreType.DMA,
            pltpu.SemaphoreType.DMA,
            pltpu.SemaphoreType.DMA,
            pltpu.SemaphoreType.DMA,
        ],
        compiler_params=pltpu.CompilerParams(use_tc_tiling_on_sc=True),
    )
    def k(table_hbm, idx_hbm, out_hbm, idx_v, rows_v, g0, g1, g2, w0, w1, w2):
        wid = lax.axis_index("s") * NC + lax.axis_index("c")
        pltpu.sync_copy(idx_hbm.at[wid], idx_v)
        b0_base = wid * b0_per_w
        gsem = (g0, g1, g2)
        wsem = (w0, w1, w2)

        def fire_g(g, buf):
            for j in range(GPS):
                pltpu.async_copy(
                    table_hbm.at[idx_v.at[g * GPS + j]],
                    rows_v.at[buf, pl.ds(j * GW, GW)],
                    gsem[buf],
                )

        def drain_g(buf):
            pltpu.make_async_copy(
                table_hbm.at[pl.ds(0, B1)], rows_v.at[buf], gsem[buf]
            ).wait()

        def fire_w(g, buf):
            pltpu.async_copy(
                rows_v.at[buf],
                out_hbm.at[b0_base + g],
                wsem[buf],
            )

        def drain_w(buf):
            pltpu.make_async_copy(
                rows_v.at[buf], out_hbm.at[0], wsem[buf]
            ).wait()

        fire_g(0, 0)
        fire_g(1, 1)
        drain_g(0)
        fire_w(0, 0)
        fire_g(2, 2)
        drain_g(1)
        fire_w(1, 1)

        @pl.loop(0, (n - 5) // 3)
        def superstep(s):
            ga = 3 * s + 2
            drain_w(0)
            fire_g(ga + 1, 0)
            drain_g(2)
            fire_w(ga, 2)
            drain_w(1)
            fire_g(ga + 2, 1)
            drain_g(0)
            fire_w(ga + 1, 0)
            drain_w(2)
            fire_g(ga + 3, 2)
            drain_g(1)
            fire_w(ga + 2, 1)

        drain_w(0)
        fire_g(n - 2, 0)
        drain_g(2)
        fire_w(n - 3, 2)
        drain_w(1)
        fire_g(n - 1, 1)
        drain_g(0)
        fire_w(n - 2, 0)
        drain_w(2)
        drain_g(1)
        fire_w(n - 1, 1)
        drain_w(0)
        drain_w(1)

    return k(tablep, idx3)


def kernel(x, table):
    B0, B1 = x.shape
    V, D = table.shape
    xf = x.reshape(-1).astype(jnp.int32)
    tablep = jnp.pad(table, ((0, 0), (0, D)))
    out2 = _sc_gather(tablep, xf, B0, B1, D)
    return out2[:, :, :D]

# --- scband reference (transcript-rebuilt; emitter-appended) ---
"""Pipeline reference for scband-word-embedding-24850680775206 (READ-ONLY COPY).

The authoritative reference and input builder live on the scoring server;
editing this copy changes nothing except your own understanding.
"""

import jax, jax.numpy as jnp
import numpy as np

VOCAB = 1000000
EMBED = 64

def setup_inputs(seed: int = 0) -> dict:
    key = jax.random.key(seed)
    k1, k2 = jax.random.split(key)
    x = jax.random.randint(k1, (4096, 200), 0, VOCAB, dtype=jnp.int64 if jax.config.jax_enable_x64 else jnp.int32)
    table = jax.random.normal(k2, (VOCAB, EMBED), dtype=jnp.float32)
    return {"x": x, "table": table}

def reference(x, table):
    # nn.Embedding forward: row gather from the embedding table
    return jnp.take(table, x, axis=0)

if __name__ == "__main__":
    import jax
    _d = setup_inputs()
    print(jax.jit(kernel)(*tuple(_d.values())))

</pallas_src>

<mosaic_0001>
#map = affine_map<(d0, d1) -> (0, 0)>
#map1 = affine_map<(d0, d1) -> (0, 0, 0)>
module attributes {stable_mosaic.version = 14 : i64} {
  func.func @k(%arg0: i32, %arg1: i32, %arg2: memref<1000000x128xf32, #tpu.memory_space<hbm>>, %arg3: memref<32x256x100xi32, #tpu.memory_space<hbm>>, %arg4: memref<4096x200x128xf32, #tpu.memory_space<hbm>>, %arg5: memref<256x100xi32, #tpu.memory_space<vmem>>, %arg6: memref<3x200x128xf32, #tpu.memory_space<vmem>>, %arg7: memref<!tpu.dma_semaphore, #tpu.memory_space<semaphore_mem>>, %arg8: memref<!tpu.dma_semaphore, #tpu.memory_space<semaphore_mem>>, %arg9: memref<!tpu.dma_semaphore, #tpu.memory_space<semaphore_mem>>, %arg10: memref<!tpu.dma_semaphore, #tpu.memory_space<semaphore_mem>>, %arg11: memref<!tpu.dma_semaphore, #tpu.memory_space<semaphore_mem>>, %arg12: memref<!tpu.dma_semaphore, #tpu.memory_space<semaphore_mem>>) attributes {dimension_semantics = [#tpu.dimension_semantics<core_parallel>, #tpu.dimension_semantics<subcore_parallel>], iteration_bounds = array<i64: 2, 16>, scalar_prefetch = 0 : i64, scratch_operands = 8 : i64, tpu.core_type = #tpu.core_type<sc_vector_subcore>, window_params = [{transform_indices = #map}, {transform_indices = #map1}, {transform_indices = #map1}]} {
    %mul3A = arith.constant 2 : i32
    %mul3A_0 = arith.muli %arg1, %mul3A : i32
    %add3A = arith.addi %mul3A_0, %arg0 : i32
    "tpu.region"() ({
      %run_scoped3A = tpu.sem_alloc : memref<!tpu.dma_semaphore, #tpu.memory_space<semaphore_mem>>
      %dma_start3A_385 = arith.constant 0 : i32
      %dma_start3A_386 = arith.constant 0 : i32
      %dma_start3A_387 = tpu.memref_slice %arg3[%add3A, %dma_start3A_385, %dma_start3A_386] : memref<32x256x100xi32, #tpu.memory_space<hbm>> -> memref<1x256x100xi32, #tpu.memory_space<hbm>>
      %dma_start3A_388 = tpu.memref_squeeze %dma_start3A_387 : memref<1x256x100xi32, #tpu.memory_space<hbm>> -> memref<256x100xi32, #tpu.memory_space<hbm>>
      %dma_start3A_389 = arith.constant 0 : i32
      %dma_start3A_390 = arith.constant 0 : i32
      %dma_start3A_391 = tpu.memref_slice %arg3[%add3A, %dma_start3A_389, %dma_start3A_390] : memref<32x256x100xi32, #tpu.memory_space<hbm>> -> memref<1x256x100xi32, #tpu.memory_space<hbm>>
      %dma_start3A_392 = tpu.memref_squeeze %dma_start3A_391 : memref<1x256x100xi32, #tpu.memory_space<hbm>> -> memref<256x100xi32, #tpu.memory_space<hbm>>
      tpu.enqueue_dma source(%dma_start3A_392 : memref<256x100xi32, #tpu.memory_space<hbm>>) target(%arg5 : memref<256x100xi32, #tpu.memory_space<vmem>>) target_semaphore(%run_scoped3A : memref<!tpu.dma_semaphore, #tpu.memory_space<semaphore_mem>>)
      %dma_wait3A_393 = arith.constant 0 : i32
      %dma_wait3A_394 = arith.constant 0 : i32
      %dma_wait3A_395 = tpu.memref_slice %arg3[%add3A, %dma_wait3A_393, %dma_wait3A_394] : memref<32x256x100xi32, #tpu.memory_space<hbm>> -> memref<1x256x100xi32, #tpu.memory_space<hbm>>
      %dma_wait3A_396 = tpu.memref_squeeze %dma_wait3A_395 : memref<1x256x100xi32, #tpu.memory_space<hbm>> -> memref<256x100xi32, #tpu.memory_space<hbm>>
      %dma_wait3A_397 = arith.constant 0 : i32
      %dma_wait3A_398 = arith.constant 0 : i32
      %dma_wait3A_399 = tpu.memref_slice %arg3[%add3A, %dma_wait3A_397, %dma_wait3A_398] : memref<32x256x100xi32, #tpu.memory_space<hbm>> -> memref<1x256x100xi32, #tpu.memory_space<hbm>>
      %dma_wait3A_400 = tpu.memref_squeeze %dma_wait3A_399 : memref<1x256x100xi32, #tpu.memory_space<hbm>> -> memref<256x100xi32, #tpu.memory_space<hbm>>
      tpu.wait_dma2 semaphore(%run_scoped3A : memref<!tpu.dma_semaphore, #tpu.memory_space<semaphore_mem>>) src(%dma_wait3A_400 : memref<256x100xi32, #tpu.memory_space<hbm>>) dst(%arg5 : memref<256x100xi32, #tpu.memory_space<vmem>>)
      tpu.yield
    }) : () -> ()
    %mul3A_1 = arith.constant 128 : i32
    %mul3A_2 = arith.muli %add3A, %mul3A_1 : i32
    %dma_start3A = arith.constant 0 : i32
    %dma_start3A_3 = arith.constant 0 : i32
    %dma_start3A_4 = arith.constant 0 : i32
    %dma_start3A_5 = arith.constant 0 : i32
    %dma_start3A_6 = tpu.memref_slice %arg6[%dma_start3A_3, %dma_start3A_4, %dma_start3A_5] : memref<3x200x128xf32, #tpu.memory_space<vmem>> -> memref<1x100x128xf32, #tpu.memory_space<vmem>>
    %dma_start3A_7 = tpu.memref_squeeze %dma_start3A_6 : memref<1x100x128xf32, #tpu.memory_space<vmem>> -> memref<100x128xf32, #tpu.memory_space<vmem>>
    %dma_start3A_8 = arith.constant 0 : i32
    %dma_start3A_9 = tpu.memref_slice %arg5[%dma_start3A, %dma_start3A_8] : memref<256x100xi32, #tpu.memory_space<vmem>> -> memref<1x100xi32, #tpu.memory_space<vmem>>
    %dma_start3A_10 = tpu.memref_squeeze %dma_start3A_9 : memref<1x100xi32, #tpu.memory_space<vmem>> -> memref<100xi32, #tpu.memory_space<vmem>>
    %dma_start3A_11 = arith.constant 0 : i32
    %dma_start3A_12 = arith.constant 0 : i32
    %dma_start3A_13 = tpu.memref_slice %arg2[%dma_start3A_11, %dma_start3A_12] : memref<1000000x128xf32, #tpu.memory_space<hbm>> -> memref<1000000x128xf32, #tpu.memory_space<hbm>>
    tpu.enqueue_indirect_dma source(%dma_start3A_13 : memref<1000000x128xf32, #tpu.memory_space<hbm>>) target(%dma_start3A_7 : memref<100x128xf32, #tpu.memory_space<vmem>>) offsets(%dma_start3A_10 : memref<100xi32, #tpu.memory_space<vmem>>) semaphore(%arg7 : memref<!tpu.dma_semaphore, #tpu.memory_space<semaphore_mem>>)
    %dma_start3A_14 = arith.constant 1 : i32
    %dma_start3A_15 = arith.constant 0 : i32
    %dma_start3A_16 = arith.constant 100 : i32
    %dma_start3A_17 = arith.constant 0 : i32
    %dma_start3A_18 = tpu.memref_slice %arg6[%dma_start3A_15, %dma_start3A_16, %dma_start3A_17] : memref<3x200x128xf32, #tpu.memory_space<vmem>> -> memref<1x100x128xf32, #tpu.memory_space<vmem>>
    %dma_start3A_19 = tpu.memref_squeeze %dma_start3A_18 : memref<1x100x128xf32, #tpu.memory_space<vmem>> -> memref<100x128xf32, #tpu.memory_space<vmem>>
    %dma_start3A_20 = arith.constant 0 : i32
    %dma_start3A_21 = tpu.memref_slice %arg5[%dma_start3A_14, %dma_start3A_20] : memref<256x100xi32, #tpu.memory_space<vmem>> -> memref<1x100xi32, #tpu.memory_space<vmem>>
    %dma_start3A_22 = tpu.memref_squeeze %dma_start3A_21 : memref<1x100xi32, #tpu.memory_space<vmem>> -> memref<100xi32, #tpu.memory_space<vmem>>
    %dma_start3A_23 = arith.constant 0 : i32
    %dma_start3A_24 = arith.constant 0 : i32
    %dma_start3A_25 = tpu.memref_slice %arg2[%dma_start3A_23, %dma_start3A_24] : memref<1000000x128xf32, #tpu.memory_space<hbm>> -> memref<1000000x128xf32, #tpu.memory_space<hbm>>
    tpu.enqueue_indirect_dma source(%dma_start3A_25 : memref<1000000x128xf32, #tpu.memory_space<hbm>>) target(%dma_start3A_19 : memref<100x128xf32, #tpu.memory_space<vmem>>) offsets(%dma_start3A_22 : memref<100xi32, #tpu.memory_space<vmem>>) semaphore(%arg7 : memref<!tpu.dma_semaphore, #tpu.memory_space<semaphore_mem>>)
    %dma_start3A_26 = arith.constant 2 : i32
    %dma_start3A_27 = arith.constant 1 : i32
    %dma_start3A_28 = arith.constant 0 : i32
    %dma_start3A_29 = arith.constant 0 : i32
    %dma_start3A_30 = tpu.memref_slice %arg6[%dma_start3A_27, %dma_start3A_28, %dma_start3A_29] : memref<3x200x128xf32, #tpu.memory_space<vmem>> -> memref<1x100x128xf32, #tpu.memory_space<vmem>>
    %dma_start3A_31 = tpu.memref_squeeze %dma_start3A_30 : memref<1x100x128xf32, #tpu.memory_space<vmem>> -> memref<100x128xf32, #tpu.memory_space<vmem>>
    %dma_start3A_32 = arith.constant 0 : i32
    %dma_start3A_33 = tpu.memref_slice %arg5[%dma_start3A_26, %dma_start3A_32] : memref<256x100xi32, #tpu.memory_space<vmem>> -> memref<1x100xi32, #tpu.memory_space<vmem>>
    %dma_start3A_34 = tpu.memref_squeeze %dma_start3A_33 : memref<1x100xi32, #tpu.memory_space<vmem>> -> memref<100xi32, #tpu.memory_space<vmem>>
    %dma_start3A_35 = arith.constant 0 : i32
    %dma_start3A_36 = arith.constant 0 : i32
    %dma_start3A_37 = tpu.memref_slice %arg2[%dma_start3A_35, %dma_start3A_36] : memref<1000000x128xf32, #tpu.memory_space<hbm>> -> memref<1000000x128xf32, #tpu.memory_space<hbm>>
    tpu.enqueue_indirect_dma source(%dma_start3A_37 : memref<1000000x128xf32, #tpu.memory_space<hbm>>) target(%dma_start3A_31 : memref<100x128xf32, #tpu.memory_space<vmem>>) offsets(%dma_start3A_34 : memref<100xi32, #tpu.memory_space<vmem>>) semaphore(%arg8 : memref<!tpu.dma_semaphore, #tpu.memory_space<semaphore_mem>>)
    %dma_start3A_38 = arith.constant 3 : i32
    %dma_start3A_39 = arith.constant 1 : i32
    %dma_start3A_40 = arith.constant 100 : i32
    %dma_start3A_41 = arith.constant 0 : i32
    %dma_start3A_42 = tpu.memref_slice %arg6[%dma_start3A_39, %dma_start3A_40, %dma_start3A_41] : memref<3x200x128xf32, #tpu.memory_space<vmem>> -> memref<1x100x128xf32, #tpu.memory_space<vmem>>
    %dma_start3A_43 = tpu.memref_squeeze %dma_start3A_42 : memref<1x100x128xf32, #tpu.memory_space<vmem>> -> memref<100x128xf32, #tpu.memory_space<vmem>>
    %dma_start3A_44 = arith.constant 0 : i32
    %dma_start3A_45 = tpu.memref_slice %arg5[%dma_start3A_38, %dma_start3A_44] : memref<256x100xi32, #tpu.memory_space<vmem>> -> memref<1x100xi32, #tpu.memory_space<vmem>>
    %dma_start3A_46 = tpu.memref_squeeze %dma_start3A_45 : memref<1x100xi32, #tpu.memory_space<vmem>> -> memref<100xi32, #tpu.memory_space<vmem>>
    %dma_start3A_47 = arith.constant 0 : i32
    %dma_start3A_48 = arith.constant 0 : i32
    %dma_start3A_49 = tpu.memref_slice %arg2[%dma_start3A_47, %dma_start3A_48] : memref<1000000x128xf32, #tpu.memory_space<hbm>> -> memref<1000000x128xf32, #tpu.memory_space<hbm>>
    tpu.enqueue_indirect_dma source(%dma_start3A_49 : memref<1000000x128xf32, #tpu.memory_space<hbm>>) target(%dma_start3A_43 : memref<100x128xf32, #tpu.memory_space<vmem>>) offsets(%dma_start3A_46 : memref<100xi32, #tpu.memory_space<vmem>>) semaphore(%arg8 : memref<!tpu.dma_semaphore, #tpu.memory_space<semaphore_mem>>)
    %dma_wait3A = arith.constant 0 : i32
    %dma_wait3A_50 = arith.constant 0 : i32
    %dma_wait3A_51 = arith.constant 0 : i32
    %dma_wait3A_52 = tpu.memref_slice %arg6[%dma_wait3A, %dma_wait3A_50, %dma_wait3A_51] : memref<3x200x128xf32, #tpu.memory_space<vmem>> -> memref<1x200x128xf32, #tpu.memory_space<vmem>>
    %dma_wait3A_53 = tpu.memref_squeeze %dma_wait3A_52 : memref<1x200x128xf32, #tpu.memory_space<vmem>> -> memref<200x128xf32, #tpu.memory_space<vmem>>
    %dma_wait3A_54 = arith.constant 0 : i32
    %dma_wait3A_55 = arith.constant 0 : i32
    %dma_wait3A_56 = tpu.memref_slice %arg2[%dma_wait3A_54, %dma_wait3A_55] : memref<1000000x128xf32, #tpu.memory_space<hbm>> -> memref<200x128xf32, #tpu.memory_space<hbm>>
    %dma_wait3A_57 = arith.constant 0 : i32
    %dma_wait3A_58 = arith.constant 0 : i32
    %dma_wait3A_59 = tpu.memref_slice %arg6[%dma_wait3A, %dma_wait3A_57, %dma_wait3A_58] : memref<3x200x128xf32, #tpu.memory_space<vmem>> -> memref<1x200x128xf32, #tpu.memory_space<vmem>>
    %dma_wait3A_60 = tpu.memref_squeeze %dma_wait3A_59 : memref<1x200x128xf32, #tpu.memory_space<vmem>> -> memref<200x128xf32, #tpu.memory_space<vmem>>
    %dma_wait3A_61 = arith.constant 0 : i32
    %dma_wait3A_62 = arith.constant 0 : i32
    %dma_wait3A_63 = tpu.memref_slice %arg2[%dma_wait3A_61, %dma_wait3A_62] : memref<1000000x128xf32, #tpu.memory_space<hbm>> -> memref<200x128xf32, #tpu.memory_space<hbm>>
    tpu.wait_dma2 semaphore(%arg7 : memref<!tpu.dma_semaphore, #tpu.memory_space<semaphore_mem>>) src(%dma_wait3A_63 : memref<200x128xf32, #tpu.memory_space<hbm>>) dst(%dma_wait3A_60 : memref<200x128xf32, #tpu.memory_space<vmem>>)
    %add3A_64 = arith.constant 0 : i32
    %add3A_65 = arith.addi %mul3A_2, %add3A_64 : i32
    %dma_start3A_66 = arith.constant 0 : i32
    %dma_start3A_67 = arith.constant 0 : i32
    %dma_start3A_68 = arith.constant 0 : i32
    %dma_start3A_69 = tpu.memref_slice %arg6[%dma_start3A_66, %dma_start3A_67, %dma_start3A_68] : memref<3x200x128xf32, #tpu.memory_space<vmem>> -> memref<1x200x128xf32, #tpu.memory_space<vmem>>
    %dma_start3A_70 = tpu.memref_squeeze %dma_start3A_69 : memref<1x200x128xf32, #tpu.memory_space<vmem>> -> memref<200x128xf32, #tpu.memory_space<vmem>>
    %dma_start3A_71 = arith.constant 0 : i32
    %dma_start3A_72 = arith.constant 0 : i32
    %dma_start3A_73 = tpu.memref_slice %arg4[%add3A_65, %dma_start3A_71, %dma_start3A_72] : memref<4096x200x128xf32, #tpu.memory_space<hbm>> -> memref<1x200x128xf32, #tpu.memory_space<hbm>>
    %dma_start3A_74 = tpu.memref_squeeze %dma_start3A_73 : memref<1x200x128xf32, #tpu.memory_space<hbm>> -> memref<200x128xf32, #tpu.memory_space<hbm>>
    %dma_start3A_75 = arith.constant 0 : i32
    %dma_start3A_76 = arith.constant 0 : i32
    %dma_start3A_77 = tpu.memref_slice %arg4[%add3A_65, %dma_start3A_75, %dma_start3A_76] : memref<4096x200x128xf32, #tpu.memory_space<hbm>> -> memref<1x200x128xf32, #tpu.memory_space<hbm>>
    %dma_start3A_78 = tpu.memref_squeeze %dma_start3A_77 : memref<1x200x128xf32, #tpu.memory_space<hbm>> -> memref<200x128xf32, #tpu.memory_space<hbm>>
    %dma_start3A_79 = arith.constant 0 : i32
    %dma_start3A_80 = arith.constant 0 : i32
    %dma_start3A_81 = tpu.memref_slice %arg6[%dma_start3A_66, %dma_start3A_79, %dma_start3A_80] : memref<3x200x128xf32, #tpu.memory_space<vmem>> -> memref<1x200x128xf32, #tpu.memory_space<vmem>>
    %dma_start3A_82 = tpu.memref_squeeze %dma_start3A_81 : memref<1x200x128xf32, #tpu.memory_space<vmem>> -> memref<200x128xf32, #tpu.memory_space<vmem>>
    tpu.enqueue_dma source(%dma_start3A_82 : memref<200x128xf32, #tpu.memory_space<vmem>>) target(%dma_start3A_78 : memref<200x128xf32, #tpu.memory_space<hbm>>) target_semaphore(%arg10 : memref<!tpu.dma_semaphore, #tpu.memory_space<semaphore_mem>>)
    %dma_start3A_83 = arith.constant 4 : i32
    %dma_start3A_84 = arith.constant 2 : i32
    %dma_start3A_85 = arith.constant 0 : i32
    %dma_start3A_86 = arith.constant 0 : i32
    %dma_start3A_87 = tpu.memref_slice %arg6[%dma_start3A_84, %dma_start3A_85, %dma_start3A_86] : memref<3x200x128xf32, #tpu.memory_space<vmem>> -> memref<1x100x128xf32, #tpu.memory_space<vmem>>
    %dma_start3A_88 = tpu.memref_squeeze %dma_start3A_87 : memref<1x100x128xf32, #tpu.memory_space<vmem>> -> memref<100x128xf32, #tpu.memory_space<vmem>>
    %dma_start3A_89 = arith.constant 0 : i32
    %dma_start3A_90 = tpu.memref_slice %arg5[%dma_start3A_83, %dma_start3A_89] : memref<256x100xi32, #tpu.memory_space<vmem>> -> memref<1x100xi32, #tpu.memory_space<vmem>>
    %dma_start3A_91 = tpu.memref_squeeze %dma_start3A_90 : memref<1x100xi32, #tpu.memory_space<vmem>> -> memref<100xi32, #tpu.memory_space<vmem>>
    %dma_start3A_92 = arith.constant 0 : i32
    %dma_start3A_93 = arith.constant 0 : i32
    %dma_start3A_94 = tpu.memref_slice %arg2[%dma_start3A_92, %dma_start3A_93] : memref<1000000x128xf32, #tpu.memory_space<hbm>> -> memref<1000000x128xf32, #tpu.memory_space<hbm>>
    tpu.enqueue_indirect_dma source(%dma_start3A_94 : memref<1000000x128xf32, #tpu.memory_space<hbm>>) target(%dma_start3A_88 : memref<100x128xf32, #tpu.memory_space<vmem>>) offsets(%dma_start3A_91 : memref<100xi32, #tpu.memory_space<vmem>>) semaphore(%arg9 : memref<!tpu.dma_semaphore, #tpu.memory_space<semaphore_mem>>)
    %dma_start3A_95 = arith.constant 5 : i32
    %dma_start3A_96 = arith.constant 2 : i32
    %dma_start3A_97 = arith.constant 100 : i32
    %dma_start3A_98 = arith.constant 0 : i32
    %dma_start3A_99 = tpu.memref_slice %arg6[%dma_start3A_96, %dma_start3A_97, %dma_start3A_98] : memref<3x200x128xf32, #tpu.memory_space<vmem>> -> memref<1x100x128xf32, #tpu.memory_space<vmem>>
    %dma_start3A_100 = tpu.memref_squeeze %dma_start3A_99 : memref<1x100x128xf32, #tpu.memory_space<vmem>> -> memref<100x128xf32, #tpu.memory_space<vmem>>
    %dma_start3A_101 = arith.constant 0 : i32
    %dma_start3A_102 = tpu.memref_slice %arg5[%dma_start3A_95, %dma_start3A_101] : memref<256x100xi32, #tpu.memory_space<vmem>> -> memref<1x100xi32, #tpu.memory_space<vmem>>
    %dma_start3A_103 = tpu.memref_squeeze %dma_start3A_102 : memref<1x100xi32, #tpu.memory_space<vmem>> -> memref<100xi32, #tpu.memory_space<vmem>>
    %dma_start3A_104 = arith.constant 0 : i32
    %dma_start3A_105 = arith.constant 0 : i32
    %dma_start3A_106 = tpu.memref_slice %arg2[%dma_start3A_104, %dma_start3A_105] : memref<1000000x128xf32, #tpu.memory_space<hbm>> -> memref<1000000x128xf32, #tpu.memory_space<hbm>>
    tpu.enqueue_indirect_dma source(%dma_start3A_106 : memref<1000000x128xf32, #tpu.memory_space<hbm>>) target(%dma_start3A_100 : memref<100x128xf32, #tpu.memory_space<vmem>>) offsets(%dma_start3A_103 : memref<100xi32, #tpu.memory_space<vmem>>) semaphore(%arg9 : memref<!tpu.dma_semaphore, #tpu.memory_space<semaphore_mem>>)
    %dma_wait3A_107 = arith.constant 1 : i32
    %dma_wait3A_108 = arith.constant 0 : i32
    %dma_wait3A_109 = arith.constant 0 : i32
    %dma_wait3A_110 = tpu.memref_slice %arg6[%dma_wait3A_107, %dma_wait3A_108, %dma_wait3A_109] : memref<3x200x128xf32, #tpu.memory_space<vmem>> -> memref<1x200x128xf32, #tpu.memory_space<vmem>>
    %dma_wait3A_111 = tpu.memref_squeeze %dma_wait3A_110 : memref<1x200x128xf32, #tpu.memory_space<vmem>> -> memref<200x128xf32, #tpu.memory_space<vmem>>
    %dma_wait3A_112 = arith.constant 0 : i32
    %dma_wait3A_113 = arith.constant 0 : i32
    %dma_wait3A_114 = tpu.memref_slice %arg2[%dma_wait3A_112, %dma_wait3A_113] : memref<1000000x128xf32, #tpu.memory_space<hbm>> -> memref<200x128xf32, #tpu.memory_space<hbm>>
    %dma_wait3A_115 = arith.constant 0 : i32
    %dma_wait3A_116 = arith.constant 0 : i32
    %dma_wait3A_117 = tpu.memref_slice %arg6[%dma_wait3A_107, %dma_wait3A_115, %dma_wait3A_116] : memref<3x200x128xf32, #tpu.memory_space<vmem>> -> memref<1x200x128xf32, #tpu.memory_space<vmem>>
    %dma_wait3A_118 = tpu.memref_squeeze %dma_wait3A_117 : memref<1x200x128xf32, #tpu.memory_space<vmem>> -> memref<200x128xf32, #tpu.memory_space<vmem>>
    %dma_wait3A_119 = arith.constant 0 : i32
    %dma_wait3A_120 = arith.constant 0 : i32
    %dma_wait3A_121 = tpu.memref_slice %arg2[%dma_wait3A_119, %dma_wait3A_120] : memref<1000000x128xf32, #tpu.memory_space<hbm>> -> memref<200x128xf32, #tpu.memory_space<hbm>>
    tpu.wait_dma2 semaphore(%arg8 : memref<!tpu.dma_semaphore, #tpu.memory_space<semaphore_mem>>) src(%dma_wait3A_121 : memref<200x128xf32, #tpu.memory_space<hbm>>) dst(%dma_wait3A_118 : memref<200x128xf32, #tpu.memory_space<vmem>>)
    %add3A_122 = arith.constant 1 : i32
    %add3A_123 = arith.addi %mul3A_2, %add3A_122 : i32
    %dma_start3A_124 = arith.constant 1 : i32
    %dma_start3A_125 = arith.constant 0 : i32
    %dma_start3A_126 = arith.constant 0 : i32
    %dma_start3A_127 = tpu.memref_slice %arg6[%dma_start3A_124, %dma_start3A_125, %dma_start3A_126] : memref<3x200x128xf32, #tpu.memory_space<vmem>> -> memref<1x200x128xf32, #tpu.memory_space<vmem>>
    %dma_start3A_128 = tpu.memref_squeeze %dma_start3A_127 : memref<1x200x128xf32, #tpu.memory_space<vmem>> -> memref<200x128xf32, #tpu.memory_space<vmem>>
    %dma_start3A_129 = arith.constant 0 : i32
    %dma_start3A_130 = arith.constant 0 : i32
    %dma_start3A_131 = tpu.memref_slice %arg4[%add3A_123, %dma_start3A_129, %dma_start3A_130] : memref<4096x200x128xf32, #tpu.memory_space<hbm>> -> memref<1x200x128xf32, #tpu.memory_space<hbm>>
    %dma_start3A_132 = tpu.memref_squeeze %dma_start3A_131 : memref<1x200x128xf32, #tpu.memory_space<hbm>> -> memref<200x128xf32, #tpu.memory_space<hbm>>
    %dma_start3A_133 = arith.constant 0 : i32
    %dma_start3A_134 = arith.constant 0 : i32
    %dma_start3A_135 = tpu.memref_slice %arg4[%add3A_123, %dma_start3A_133, %dma_start3A_134] : memref<4096x200x128xf32, #tpu.memory_space<hbm>> -> memref<1x200x128xf32, #tpu.memory_space<hbm>>
    %dma_start3A_136 = tpu.memref_squeeze %dma_start3A_135 : memref<1x200x128xf32, #tpu.memory_space<hbm>> -> memref<200x128xf32, #tpu.memory_space<hbm>>
    %dma_start3A_137 = arith.constant 0 : i32
    %dma_start3A_138 = arith.constant 0 : i32
    %dma_start3A_139 = tpu.memref_slice %arg6[%dma_start3A_124, %dma_start3A_137, %dma_start3A_138] : memref<3x200x128xf32, #tpu.memory_space<vmem>> -> memref<1x200x128xf32, #tpu.memory_space<vmem>>
    %dma_start3A_140 = tpu.memref_squeeze %dma_start3A_139 : memref<1x200x128xf32, #tpu.memory_space<vmem>> -> memref<200x128xf32, #tpu.memory_space<vmem>>
    tpu.enqueue_dma source(%dma_start3A_140 : memref<200x128xf32, #tpu.memory_space<vmem>>) target(%dma_start3A_136 : memref<200x128xf32, #tpu.memory_space<hbm>>) target_semaphore(%arg11 : memref<!tpu.dma_semaphore, #tpu.memory_space<semaphore_mem>>)
    %scan3A = arith.constant 0 : i32
    %scan3A_141 = arith.constant 41 : i32
    %scan3A_142 = arith.addi %scan3A, %scan3A_141 : i32
    %scan3A_143 = arith.constant 1 : i32
    scf.for %scan3A_385 = %scan3A to %scan3A_142 step %scan3A_143  : i32 {
      %mul3A_386 = arith.constant 1 : i32
      %mul3A_387 = arith.muli %scan3A_385, %mul3A_386 : i32
      %add3A_388 = arith.constant 0 : i32
      %add3A_389 = arith.addi %add3A_388, %mul3A_387 : i32
      %mul3A_390 = arith.constant 3 : i32
      %mul3A_391 = arith.muli %mul3A_390, %add3A_389 : i32
      %add3A_392 = arith.constant 2 : i32
      %add3A_393 = arith.addi %mul3A_391, %add3A_392 : i32
      %dma_wait3A_394 = arith.constant 0 : i32
      %dma_wait3A_395 = arith.constant 0 : i32
      %dma_wait3A_396 = arith.constant 0 : i32
      %dma_wait3A_397 = arith.constant 0 : i32
      %dma_wait3A_398 = tpu.memref_slice %arg6[%dma_wait3A_394, %dma_wait3A_396, %dma_wait3A_397] : memref<3x200x128xf32, #tpu.memory_space<vmem>> -> memref<1x200x128xf32, #tpu.memory_space<vmem>>
      %dma_wait3A_399 = tpu.memref_squeeze %dma_wait3A_398 : memref<1x200x128xf32, #tpu.memory_space<vmem>> -> memref<200x128xf32, #tpu.memory_space<vmem>>
      %dma_wait3A_400 = arith.constant 0 : i32
      %dma_wait3A_401 = arith.constant 0 : i32
      %dma_wait3A_402 = tpu.memref_slice %arg4[%dma_wait3A_395, %dma_wait3A_400, %dma_wait3A_401] : memref<4096x200x128xf32, #tpu.memory_space<hbm>> -> memref<1x200x128xf32, #tpu.memory_space<hbm>>
      %dma_wait3A_403 = tpu.memref_squeeze %dma_wait3A_402 : memref<1x200x128xf32, #tpu.memory_space<hbm>> -> memref<200x128xf32, #tpu.memory_space<hbm>>
      %dma_wait3A_404 = arith.constant 0 : i32
      %dma_wait3A_405 = arith.constant 0 : i32
      %dma_wait3A_406 = tpu.memref_slice %arg4[%dma_wait3A_395, %dma_wait3A_404, %dma_wait3A_405] : memref<4096x200x128xf32, #tpu.memory_space<hbm>> -> memref<1x200x128xf32, #tpu.memory_space<hbm>>
      %dma_wait3A_407 = tpu.memref_squeeze %dma_wait3A_406 : memref<1x200x128xf32, #tpu.memory_space<hbm>> -> memref<200x128xf32, #tpu.memory_space<hbm>>
      %dma_wait3A_408 = arith.constant 0 : i32
      %dma_wait3A_409 = arith.constant 0 : i32
      %dma_wait3A_410 = tpu.memref_slice %arg6[%dma_wait3A_394, %dma_wait3A_408, %dma_wait3A_409] : memref<3x200x128xf32, #tpu.memory_space<vmem>> -> memref<1x200x128xf32, #tpu.memory_space<vmem>>
      %dma_wait3A_411 = tpu.memref_squeeze %dma_wait3A_410 : memref<1x200x128xf32, #tpu.memory_space<vmem>> -> memref<200x128xf32, #tpu.memory_space<vmem>>
      tpu.wait_dma2 semaphore(%arg10 : memref<!tpu.dma_semaphore, #tpu.memory_space<semaphore_mem>>) src(%dma_wait3A_411 : memref<200x128xf32, #tpu.memory_space<vmem>>) dst(%dma_wait3A_407 : memref<200x128xf32, #tpu.memory_space<hbm>>)
      %add3A_412 = arith.constant 1 : i32
      %add3A_413 = arith.addi %add3A_393, %add3A_412 : i32
      %mul3A_414 = arith.constant 2 : i32
      %mul3A_415 = arith.muli %add3A_413, %mul3A_414 : i32
      %add3A_416 = arith.constant 0 : i32
      %add3A_417 = arith.addi %mul3A_415, %add3A_416 : i32
      %dma_start3A_418 = arith.constant 0 : i32
      %dma_start3A_419 = arith.constant 0 : i32
      %dma_start3A_420 = arith.constant 0 : i32
      %dma_start3A_421 = tpu.memref_slice %arg6[%dma_start3A_418, %dma_start3A_419, %dma_start3A_420] : memref<3x200x128xf32, #tpu.memory_space<vmem>> -> memref<1x100x128xf32, #tpu.memory_space<vmem>>
      %dma_start3A_422 = tpu.memref_squeeze %dma_start3A_421 : memref<1x100x128xf32, #tpu.memory_space<vmem>> -> memref<100x128xf32, #tpu.memory_space<vmem>>
      %dma_start3A_423 = arith.constant 0 : i32
      %dma_start3A_424 = tpu.memref_slice %arg5[%add3A_417, %dma_start3A_423] : memref<256x100xi32, #tpu.memory_space<vmem>> -> memref<1x100xi32, #tpu.memory_space<vmem>>
      %dma_start3A_425 = tpu.memref_squeeze %dma_start3A_424 : memref<1x100xi32, #tpu.memory_space<vmem>> -> memref<100xi32, #tpu.memory_space<vmem>>
      %dma_start3A_426 = arith.constant 0 : i32
      %dma_start3A_427 = arith.constant 0 : i32
      %dma_start3A_428 = tpu.memref_slice %arg2[%dma_start3A_426, %dma_start3A_427] : memref<1000000x128xf32, #tpu.memory_space<hbm>> -> memref<1000000x128xf32, #tpu.memory_space<hbm>>
      tpu.enqueue_indirect_dma source(%dma_start3A_428 : memref<1000000x128xf32, #tpu.memory_space<hbm>>) target(%dma_start3A_422 : memref<100x128xf32, #tpu.memory_space<vmem>>) offsets(%dma_start3A_425 : memref<100xi32, #tpu.memory_space<vmem>>) semaphore(%arg7 : memref<!tpu.dma_semaphore, #tpu.memory_space<semaphore_mem>>)
      %mul3A_429 = arith.constant 2 : i32
      %mul3A_430 = arith.muli %add3A_413, %mul3A_429 : i32
      %add3A_431 = arith.constant 1 : i32
      %add3A_432 = arith.addi %mul3A_430, %add3A_431 : i32
      %dma_start3A_433 = arith.constant 0 : i32
      %dma_start3A_434 = arith.constant 100 : i32
      %dma_start3A_435 = arith.constant 0 : i32
      %dma_start3A_436 = tpu.memref_slice %arg6[%dma_start3A_433, %dma_start3A_434, %dma_start3A_435] : memref<3x200x128xf32, #tpu.memory_space<vmem>> -> memref<1x100x128xf32, #tpu.memory_space<vmem>>
      %dma_start3A_437 = tpu.memref_squeeze %dma_start3A_436 : memref<1x100x128xf32, #tpu.memory_space<vmem>> -> memref<100x128xf32, #tpu.memory_space<vmem>>
      %dma_start3A_438 = arith.constant 0 : i32
      %dma_start3A_439 = tpu.memref_slice %arg5[%add3A_432, %dma_start3A_438] : memref<256x100xi32, #tpu.memory_space<vmem>> -> memref<1x100xi32, #tpu.memory_space<vmem>>
      %dma_start3A_440 = tpu.memref_squeeze %dma_start3A_439 : memref<1x100xi32, #tpu.memory_space<vmem>> -> memref<100xi32, #tpu.memory_space<vmem>>
      %dma_start3A_441 = arith.constant 0 : i32
      %dma_start3A_442 = arith.constant 0 : i32
      %dma_start3A_443 = tpu.memref_slice %arg2[%dma_start3A_441, %dma_start3A_442] : memref<1000000x128xf32, #tpu.memory_space<hbm>> -> memref<1000000x128xf32, #tpu.memory_space<hbm>>
      tpu.enqueue_indirect_dma source(%dma_start3A_443 : memref<1000000x128xf32, #tpu.memory_space<hbm>>) target(%dma_start3A_437 : memref<100x128xf32, #tpu.memory_space<vmem>>) offsets(%dma_start3A_440 : memref<100xi32, #tpu.memory_space<vmem>>) semaphore(%arg7 : memref<!tpu.dma_semaphore, #tpu.memory_space<semaphore_mem>>)
      %dma_wait3A_444 = arith.constant 2 : i32
      %dma_wait3A_445 = arith.constant 0 : i32
      %dma_wait3A_446 = arith.constant 0 : i32
      %dma_wait3A_447 = tpu.memref_slice %arg6[%dma_wait3A_444, %dma_wait3A_445, %dma_wait3A_446] : memref<3x200x128xf32, #tpu.memory_space<vmem>> -> memref<1x200x128xf32, #tpu.memory_space<vmem>>
      %dma_wait3A_448 = tpu.memref_squeeze %dma_wait3A_447 : memref<1x200x128xf32, #tpu.memory_space<vmem>> -> memref<200x128xf32, #tpu.memory_space<vmem>>
      %dma_wait3A_449 = arith.constant 0 : i32
      %dma_wait3A_450 = arith.constant 0 : i32
      %dma_wait3A_451 = tpu.memref_slice %arg2[%dma_wait3A_449, %dma_wait3A_450] : memref<1000000x128xf32, #tpu.memory_space<hbm>> -> memref<200x128xf32, #tpu.memory_space<hbm>>
      %dma_wait3A_452 = arith.constant 0 : i32
      %dma_wait3A_453 = arith.constant 0 : i32
      %dma_wait3A_454 = tpu.memref_slice %arg6[%dma_wait3A_444, %dma_wait3A_452, %dma_wait3A_453] : memref<3x200x128xf32, #tpu.memory_space<vmem>> -> memref<1x200x128xf32, #tpu.memory_space<vmem>>
      %dma_wait3A_455 = tpu.memref_squeeze %dma_wait3A_454 : memref<1x200x128xf32, #tpu.memory_space<vmem>> -> memref<200x128xf32, #tpu.memory_space<vmem>>
      %dma_wait3A_456 = arith.constant 0 : i32
      %dma_wait3A_457 = arith.constant 0 : i32
      %dma_wait3A_458 = tpu.memref_slice %arg2[%dma_wait3A_456, %dma_wait3A_457] : memref<1000000x128xf32, #tpu.memory_space<hbm>> -> memref<200x128xf32, #tpu.memory_space<hbm>>
      tpu.wait_dma2 semaphore(%arg9 : memref<!tpu.dma_semaphore, #tpu.memory_space<semaphore_mem>>) src(%dma_wait3A_458 : memref<200x128xf32, #tpu.memory_space<hbm>>) dst(%dma_wait3A_455 : memref<200x128xf32, #tpu.memory_space<vmem>>)
      %add3A_459 = arith.addi %mul3A_2, %add3A_393 : i32
      %dma_start3A_460 = arith.constant 2 : i32
      %dma_start3A_461 = arith.constant 0 : i32
      %dma_start3A_462 = arith.constant 0 : i32
      %dma_start3A_463 = tpu.memref_slice %arg6[%dma_start3A_460, %dma_start3A_461, %dma_start3A_462] : memref<3x200x128xf32, #tpu.memory_space<vmem>> -> memref<1x200x128xf32, #tpu.memory_space<vmem>>
      %dma_start3A_464 = tpu.memref_squeeze %dma_start3A_463 : memref<1x200x128xf32, #tpu.memory_space<vmem>> -> memref<200x128xf32, #tpu.memory_space<vmem>>
      %dma_start3A_465 = arith.constant 0 : i32
      %dma_start3A_466 = arith.constant 0 : i32
      %dma_start3A_467 = tpu.memref_slice %arg4[%add3A_459, %dma_start3A_465, %dma_start3A_466] : memref<4096x200x128xf32, #tpu.memory_space<hbm>> -> memref<1x200x128xf32, #tpu.memory_space<hbm>>
      %dma_start3A_468 = tpu.memref_squeeze %dma_start3A_467 : memref<1x200x128xf32, #tpu.memory_space<hbm>> -> memref<200x128xf32, #tpu.memory_space<hbm>>
      %dma_start3A_469 = arith.constant 0 : i32
      %dma_start3A_470 = arith.constant 0 : i32
      %dma_start3A_471 = tpu.memref_slice %arg4[%add3A_459, %dma_start3A_469, %dma_start3A_470] : memref<4096x200x128xf32, #tpu.memory_space<hbm>> -> memref<1x200x128xf32, #tpu.memory_space<hbm>>
      %dma_start3A_472 = tpu.memref_squeeze %dma_start3A_471 : memref<1x200x128xf32, #tpu.memory_space<hbm>> -> memref<200x128xf32, #tpu.memory_space<hbm>>
      %dma_start3A_473 = arith.constant 0 : i32
      %dma_start3A_474 = arith.constant 0 : i32
      %dma_start3A_475 = tpu.memref_slice %arg6[%dma_start3A_460, %dma_start3A_473, %dma_start3A_474] : memref<3x200x128xf32, #tpu.memory_space<vmem>> -> memref<1x200x128xf32, #tpu.memory_space<vmem>>
      %dma_start3A_476 = tpu.memref_squeeze %dma_start3A_475 : memref<1x200x128xf32, #tpu.memory_space<vmem>> -> memref<200x128xf32, #tpu.memory_space<vmem>>
      tpu.enqueue_dma source(%dma_start3A_476 : memref<200x128xf32, #tpu.memory_space<vmem>>) target(%dma_start3A_472 : memref<200x128xf32, #tpu.memory_space<hbm>>) target_semaphore(%arg12 : memref<!tpu.dma_semaphore, #tpu.memory_space<semaphore_mem>>)
      %dma_wait3A_477 = arith.constant 1 : i32
      %dma_wait3A_478 = arith.constant 0 : i32
      %dma_wait3A_479 = arith.constant 0 : i32
      %dma_wait3A_480 = arith.constant 0 : i32
      %dma_wait3A_481 = tpu.memref_slice %arg6[%dma_wait3A_477, %dma_wait3A_479, %dma_wait3A_480] : memref<3x200x128xf32, #tpu.memory_space<vmem>> -> memref<1x200x128xf32, #tpu.memory_space<vmem>>
      %dma_wait3A_482 = tpu.memref_squeeze %dma_wait3A_481 : memref<1x200x128xf32, #tpu.memory_space<vmem>> -> memref<200x128xf32, #tpu.memory_space<vmem>>
      %dma_wait3A_483 = arith.constant 0 : i32
      %dma_wait3A_484 = arith.constant 0 : i32
      %dma_wait3A_485 = tpu.memref_slice %arg4[%dma_wait3A_478, %dma_wait3A_483, %dma_wait3A_484] : memref<4096x200x128xf32, #tpu.memory_space<hbm>> -> memref<1x200x128xf32, #tpu.memory_space<hbm>>
      %dma_wait3A_486 = tpu.memref_squeeze %dma_wait3A_485 : memref<1x200x128xf32, #tpu.memory_space<hbm>> -> memref<200x128xf32, #tpu.memory_space<hbm>>
      %dma_wait3A_487 = arith.constant 0 : i32
      %dma_wait3A_488 = arith.constant 0 : i32
      %dma_wait3A_489 = tpu.memref_slice %arg4[%dma_wait3A_478, %dma_wait3A_487, %dma_wait3A_488] : memref<4096x200x128xf32, #tpu.memory_space<hbm>> -> memref<1x200x128xf32, #tpu.memory_space<hbm>>
      %dma_wait3A_490 = tpu.memref_squeeze %dma_wait3A_489 : memref<1x200x128xf32, #tpu.memory_space<hbm>> -> memref<200x128xf32, #tpu.memory_space<hbm>>
      %dma_wait3A_491 = arith.constant 0 : i32
      %dma_wait3A_492 = arith.constant 0 : i32
      %dma_wait3A_493 = tpu.memref_slice %arg6[%dma_wait3A_477, %dma_wait3A_491, %dma_wait3A_492] : memref<3x200x128xf32, #tpu.memory_space<vmem>> -> memref<1x200x128xf32, #tpu.memory_space<vmem>>
      %dma_wait3A_494 = tpu.memref_squeeze %dma_wait3A_493 : memref<1x200x128xf32, #tpu.memory_space<vmem>> -> memref<200x128xf32, #tpu.memory_space<vmem>>
      tpu.wait_dma2 semaphore(%arg11 : memref<!tpu.dma_semaphore, #tpu.memory_space<semaphore_mem>>) src(%dma_wait3A_494 : memref<200x128xf32, #tpu.memory_space<vmem>>) dst(%dma_wait3A_490 : memref<200x128xf32, #tpu.memory_space<hbm>>)
      %add3A_495 = arith.constant 2 : i32
      %add3A_496 = arith.addi %add3A_393, %add3A_495 : i32
      %mul3A_497 = arith.constant 2 : i32
      %mul3A_498 = arith.muli %add3A_496, %mul3A_497 : i32
      %add3A_499 = arith.constant 0 : i32
      %add3A_500 = arith.addi %mul3A_498, %add3A_499 : i32
      %dma_start3A_501 = arith.constant 1 : i32
      %dma_start3A_502 = arith.constant 0 : i32
      %dma_start3A_503 = arith.constant 0 : i32
      %dma_start3A_504 = tpu.memref_slice %arg6[%dma_start3A_501, %dma_start3A_502, %dma_start3A_503] : memref<3x200x128xf32, #tpu.memory_space<vmem>> -> memref<1x100x128xf32, #tpu.memory_space<vmem>>
      %dma_start3A_505 = tpu.memref_squeeze %dma_start3A_504 : memref<1x100x128xf32, #tpu.memory_space<vmem>> -> memref<100x128xf32, #tpu.memory_space<vmem>>
      %dma_start3A_506 = arith.constant 0 : i32
      %dma_start3A_507 = tpu.memref_slice %arg5[%add3A_500, %dma_start3A_506] : memref<256x100xi32, #tpu.memory_space<vmem>> -> memref<1x100xi32, #tpu.memory_space<vmem>>
      %dma_start3A_508 = tpu.memref_squeeze %dma_start3A_507 : memref<1x100xi32, #tpu.memory_space<vmem>> -> memref<100xi32, #tpu.memory_space<vmem>>
      %dma_start3A_509 = arith.constant 0 : i32
      %dma_start3A_510 = arith.constant 0 : i32
      %dma_start3A_511 = tpu.memref_slice %arg2[%dma_start3A_509, %dma_start3A_510] : memref<1000000x128xf32, #tpu.memory_space<hbm>> -> memref<1000000x128xf32, #tpu.memory_space<hbm>>
      tpu.enqueue_indirect_dma source(%dma_start3A_511 : memref<1000000x128xf32, #tpu.memory_space<hbm>>) target(%dma_start3A_505 : memref<100x128xf32, #tpu.memory_space<vmem>>) offsets(%dma_start3A_508 : memref<100xi32, #tpu.memory_space<vmem>>) semaphore(%arg8 : memref<!tpu.dma_semaphore, #tpu.memory_space<semaphore_mem>>)
      %mul3A_512 = arith.constant 2 : i32
      %mul3A_513 = arith.muli %add3A_496, %mul3A_512 : i32
      %add3A_514 = arith.constant 1 : i32
      %add3A_515 = arith.addi %mul3A_513, %add3A_514 : i32
      %dma_start3A_516 = arith.constant 1 : i32
      %dma_start3A_517 = arith.constant 100 : i32
      %dma_start3A_518 = arith.constant 0 : i32
      %dma_start3A_519 = tpu.memref_slice %arg6[%dma_start3A_516, %dma_start3A_517, %dma_start3A_518] : memref<3x200x128xf32, #tpu.memory_space<vmem>> -> memref<1x100x128xf32, #tpu.memory_space<vmem>>
      %dma_start3A_520 = tpu.memref_squeeze %dma_start3A_519 : memref<1x100x128xf32, #tpu.memory_space<vmem>> -> memref<100x128xf32, #tpu.memory_space<vmem>>
      %dma_start3A_521 = arith.constant 0 : i32
      %dma_start3A_522 = tpu.memref_slice %arg5[%add3A_515, %dma_start3A_521] : memref<256x100xi32, #tpu.memory_space<vmem>> -> memref<1x100xi32, #tpu.memory_space<vmem>>
      %dma_start3A_523 = tpu.memref_squeeze %dma_start3A_522 : memref<1x100xi32, #tpu.memory_space<vmem>> -> memref<100xi32, #tpu.memory_space<vmem>>
      %dma_start3A_524 = arith.constant 0 : i32
      %dma_start3A_525 = arith.constant 0 : i32
      %dma_start3A_526 = tpu.memref_slice %arg2[%dma_start3A_524, %dma_start3A_525] : memref<1000000x128xf32, #tpu.memory_space<hbm>> -> memref<1000000x128xf32, #tpu.memory_space<hbm>>
      tpu.enqueue_indirect_dma source(%dma_start3A_526 : memref<1000000x128xf32, #tpu.memory_space<hbm>>) target(%dma_start3A_520 : memref<100x128xf32, #tpu.memory_space<vmem>>) offsets(%dma_start3A_523 : memref<100xi32, #tpu.memory_space<vmem>>) semaphore(%arg8 : memref<!tpu.dma_semaphore, #tpu.memory_space<semaphore_mem>>)
      %dma_wait3A_527 = arith.constant 0 : i32
      %dma_wait3A_528 = arith.constant 0 : i32
      %dma_wait3A_529 = arith.constant 0 : i32
      %dma_wait3A_530 = tpu.memref_slice %arg6[%dma_wait3A_527, %dma_wait3A_528, %dma_wait3A_529] : memref<3x200x128xf32, #tpu.memory_space<vmem>> -> memref<1x200x128xf32, #tpu.memory_space<vmem>>
      %dma_wait3A_531 = tpu.memref_squeeze %dma_wait3A_530 : memref<1x200x128xf32, #tpu.memory_space<vmem>> -> memref<200x128xf32, #tpu.memory_space<vmem>>
      %dma_wait3A_532 = arith.constant 0 : i32
      %dma_wait3A_533 = arith.constant 0 : i32
      %dma_wait3A_534 = tpu.memref_slice %arg2[%dma_wait3A_532, %dma_wait3A_533] : memref<1000000x128xf32, #tpu.memory_space<hbm>> -> memref<200x128xf32, #tpu.memory_space<hbm>>
      %dma_wait3A_535 = arith.constant 0 : i32
      %dma_wait3A_536 = arith.constant 0 : i32
      %dma_wait3A_537 = tpu.memref_slice %arg6[%dma_wait3A_527, %dma_wait3A_535, %dma_wait3A_536] : memref<3x200x128xf32, #tpu.memory_space<vmem>> -> memref<1x200x128xf32, #tpu.memory_space<vmem>>
      %dma_wait3A_538 = tpu.memref_squeeze %dma_wait3A_537 : memref<1x200x128xf32, #tpu.memory_space<vmem>> -> memref<200x128xf32, #tpu.memory_space<vmem>>
      %dma_wait3A_539 = arith.constant 0 : i32
      %dma_wait3A_540 = arith.constant 0 : i32
      %dma_wait3A_541 = tpu.memref_slice %arg2[%dma_wait3A_539, %dma_wait3A_540] : memref<1000000x128xf32, #tpu.memory_space<hbm>> -> memref<200x128xf32, #tpu.memory_space<hbm>>
      tpu.wait_dma2 semaphore(%arg7 : memref<!tpu.dma_semaphore, #tpu.memory_space<semaphore_mem>>) src(%dma_wait3A_541 : memref<200x128xf32, #tpu.memory_space<hbm>>) dst(%dma_wait3A_538 : memref<200x128xf32, #tpu.memory_space<vmem>>)
      %add3A_542 = arith.constant 1 : i32
      %add3A_543 = arith.addi %add3A_393, %add3A_542 : i32
      %add3A_544 = arith.addi %mul3A_2, %add3A_543 : i32
      %dma_start3A_545 = arith.constant 0 : i32
      %dma_start3A_546 = arith.constant 0 : i32
      %dma_start3A_547 = arith.constant 0 : i32
      %dma_start3A_548 = tpu.memref_slice %arg6[%dma_start3A_545, %dma_start3A_546, %dma_start3A_547] : memref<3x200x128xf32, #tpu.memory_space<vmem>> -> memref<1x200x128xf32, #tpu.memory_space<vmem>>
      %dma_start3A_549 = tpu.memref_squeeze %dma_start3A_548 : memref<1x200x128xf32, #tpu.memory_space<vmem>> -> memref<200x128xf32, #tpu.memory_space<vmem>>
      %dma_start3A_550 = arith.constant 0 : i32
      %dma_start3A_551 = arith.constant 0 : i32
      %dma_start3A_552 = tpu.memref_slice %arg4[%add3A_544, %dma_start3A_550, %dma_start3A_551] : memref<4096x200x128xf32, #tpu.memory_space<hbm>> -> memref<1x200x128xf32, #tpu.memory_space<hbm>>
      %dma_start3A_553 = tpu.memref_squeeze %dma_start3A_552 : memref<1x200x128xf32, #tpu.memory_space<hbm>> -> memref<200x128xf32, #tpu.memory_space<hbm>>
      %dma_start3A_554 = arith.constant 0 : i32
      %dma_start3A_555 = arith.constant 0 : i32
      %dma_start3A_556 = tpu.memref_slice %arg4[%add3A_544, %dma_start3A_554, %dma_start3A_555] : memref<4096x200x128xf32, #tpu.memory_space<hbm>> -> memref<1x200x128xf32, #tpu.memory_space<hbm>>
      %dma_start3A_557 = tpu.memref_squeeze %dma_start3A_556 : memref<1x200x128xf32, #tpu.memory_space<hbm>> -> memref<200x128xf32, #tpu.memory_space<hbm>>
      %dma_start3A_558 = arith.constant 0 : i32
      %dma_start3A_559 = arith.constant 0 : i32
      %dma_start3A_560 = tpu.memref_slice %arg6[%dma_start3A_545, %dma_start3A_558, %dma_start3A_559] : memref<3x200x128xf32, #tpu.memory_space<vmem>> -> memref<1x200x128xf32, #tpu.memory_space<vmem>>
      %dma_start3A_561 = tpu.memref_squeeze %dma_start3A_560 : memref<1x200x128xf32, #tpu.memory_space<vmem>> -> memref<200x128xf32, #tpu.memory_space<vmem>>
      tpu.enqueue_dma source(%dma_start3A_561 : memref<200x128xf32, #tpu.memory_space<vmem>>) target(%dma_start3A_557 : memref<200x128xf32, #tpu.memory_space<hbm>>) target_semaphore(%arg10 : memref<!tpu.dma_semaphore, #tpu.memory_space<semaphore_mem>>)
      %dma_wait3A_562 = arith.constant 2 : i32
      %dma_wait3A_563 = arith.constant 0 : i32
      %dma_wait3A_564 = arith.constant 0 : i32
      %dma_wait3A_565 = arith.constant 0 : i32
      %dma_wait3A_566 = tpu.memref_slice %arg6[%dma_wait3A_562, %dma_wait3A_564, %dma_wait3A_565] : memref<3x200x128xf32, #tpu.memory_space<vmem>> -> memref<1x200x128xf32, #tpu.memory_space<vmem>>
      %dma_wait3A_567 = tpu.memref_squeeze %dma_wait3A_566 : memref<1x200x128xf32, #tpu.memory_space<vmem>> -> memref<200x128xf32, #tpu.memory_space<vmem>>
      %dma_wait3A_568 = arith.constant 0 : i32
      %dma_wait3A_569 = arith.constant 0 : i32
      %dma_wait3A_570 = tpu.memref_slice %arg4[%dma_wait3A_563, %dma_wait3A_568, %dma_wait3A_569] : memref<4096x200x128xf32, #tpu.memory_space<hbm>> -> memref<1x200x128xf32, #tpu.memory_space<hbm>>
      %dma_wait3A_571 = tpu.memref_squeeze %dma_wait3A_570 : memref<1x200x128xf32, #tpu.memory_space<hbm>> -> memref<200x128xf32, #tpu.memory_space<hbm>>
      %dma_wait3A_572 = arith.constant 0 : i32
      %dma_wait3A_573 = arith.constant 0 : i32
      %dma_wait3A_574 = tpu.memref_slice %arg4[%dma_wait3A_563, %dma_wait3A_572, %dma_wait3A_573] : memref<4096x200x128xf32, #tpu.memory_space<hbm>> -> memref<1x200x128xf32, #tpu.memory_space<hbm>>
      %dma_wait3A_575 = tpu.memref_squeeze %dma_wait3A_574 : memref<1x200x128xf32, #tpu.memory_space<hbm>> -> memref<200x128xf32, #tpu.memory_space<hbm>>
      %dma_wait3A_576 = arith.constant 0 : i32
      %dma_wait3A_577 = arith.constant 0 : i32
      %dma_wait3A_578 = tpu.memref_slice %arg6[%dma_wait3A_562, %dma_wait3A_576, %dma_wait3A_577] : memref<3x200x128xf32, #tpu.memory_space<vmem>> -> memref<1x200x128xf32, #tpu.memory_space<vmem>>
      %dma_wait3A_579 = tpu.memref_squeeze %dma_wait3A_578 : memref<1x200x128xf32, #tpu.memory_space<vmem>> -> memref<200x128xf32, #tpu.memory_space<vmem>>
      tpu.wait_dma2 semaphore(%arg12 : memref<!tpu.dma_semaphore, #tpu.memory_space<semaphore_mem>>) src(%dma_wait3A_579 : memref<200x128xf32, #tpu.memory_space<vmem>>) dst(%dma_wait3A_575 : memref<200x128xf32, #tpu.memory_space<hbm>>)
      %add3A_580 = arith.constant 3 : i32
      %add3A_581 = arith.addi %add3A_393, %add3A_580 : i32
      %mul3A_582 = arith.constant 2 : i32
      %mul3A_583 = arith.muli %add3A_581, %mul3A_582 : i32
      %add3A_584 = arith.constant 0 : i32
      %add3A_585 = arith.addi %mul3A_583, %add3A_584 : i32
      %dma_start3A_586 = arith.constant 2 : i32
      %dma_start3A_587 = arith.constant 0 : i32
      %dma_start3A_588 = arith.constant 0 : i32
      %dma_start3A_589 = tpu.memref_slice %arg6[%dma_start3A_586, %dma_start3A_587, %dma_start3A_588] : memref<3x200x128xf32, #tpu.memory_space<vmem>> -> memref<1x100x128xf32, #tpu.memory_space<vmem>>
      %dma_start3A_590 = tpu.memref_squeeze %dma_start3A_589 : memref<1x100x128xf32, #tpu.memory_space<vmem>> -> memref<100x128xf32, #tpu.memory_space<vmem>>
      %dma_start3A_591 = arith.constant 0 : i32
      %dma_start3A_592 = tpu.memref_slice %arg5[%add3A_585, %dma_start3A_591] : memref<256x100xi32, #tpu.memory_space<vmem>> -> memref<1x100xi32, #tpu.memory_space<vmem>>
      %dma_start3A_593 = tpu.memref_squeeze %dma_start3A_592 : memref<1x100xi32, #tpu.memory_space<vmem>> -> memref<100xi32, #tpu.memory_space<vmem>>
      %dma_start3A_594 = arith.constant 0 : i32
      %dma_start3A_595 = arith.constant 0 : i32
      %dma_start3A_596 = tpu.memref_slice %arg2[%dma_start3A_594, %dma_start3A_595] : memref<1000000x128xf32, #tpu.memory_space<hbm>> -> memref<1000000x128xf32, #tpu.memory_space<hbm>>
      tpu.enqueue_indirect_dma source(%dma_start3A_596 : memref<1000000x128xf32, #tpu.memory_space<hbm>>) target(%dma_start3A_590 : memref<100x128xf32, #tpu.memory_space<vmem>>) offsets(%dma_start3A_593 : memref<100xi32, #tpu.memory_space<vmem>>) semaphore(%arg9 : memref<!tpu.dma_semaphore, #tpu.memory_space<semaphore_mem>>)
      %mul3A_597 = arith.constant 2 : i32
      %mul3A_598 = arith.muli %add3A_581, %mul3A_597 : i32
      %add3A_599 = arith.constant 1 : i32
      %add3A_600 = arith.addi %mul3A_598, %add3A_599 : i32
      %dma_start3A_601 = arith.constant 2 : i32
      %dma_start3A_602 = arith.constant 100 : i32
      %dma_start3A_603 = arith.constant 0 : i32
      %dma_start3A_604 = tpu.memref_slice %arg6[%dma_start3A_601, %dma_start3A_602, %dma_start3A_603] : memref<3x200x128xf32, #tpu.memory_space<vmem>> -> memref<1x100x128xf32, #tpu.memory_space<vmem>>
      %dma_start3A_605 = tpu.memref_squeeze %dma_start3A_604 : memref<1x100x128xf32, #tpu.memory_space<vmem>> -> memref<100x128xf32, #tpu.memory_space<vmem>>
      %dma_start3A_606 = arith.constant 0 : i32
      %dma_start3A_607 = tpu.memref_slice %arg5[%add3A_600, %dma_start3A_606] : memref<256x100xi32, #tpu.memory_space<vmem>> -> memref<1x100xi32, #tpu.memory_space<vmem>>
      %dma_start3A_608 = tpu.memref_squeeze %dma_start3A_607 : memref<1x100xi32, #tpu.memory_space<vmem>> -> memref<100xi32, #tpu.memory_space<vmem>>
      %dma_start3A_609 = arith.constant 0 : i32
      %dma_start3A_610 = arith.constant 0 : i32
      %dma_start3A_611 = tpu.memref_slice %arg2[%dma_start3A_609, %dma_start3A_610] : memref<1000000x128xf32, #tpu.memory_space<hbm>> -> memref<1000000x128xf32, #tpu.memory_space<hbm>>
      tpu.enqueue_indirect_dma source(%dma_start3A_611 : memref<1000000x128xf32, #tpu.memory_space<hbm>>) target(%dma_start3A_605 : memref<100x128xf32, #tpu.memory_space<vmem>>) offsets(%dma_start3A_608 : memref<100xi32, #tpu.memory_space<vmem>>) semaphore(%arg9 : memref<!tpu.dma_semaphore, #tpu.memory_space<semaphore_mem>>)
      %dma_wait3A_612 = arith.constant 1 : i32
      %dma_wait3A_613 = arith.constant 0 : i32
      %dma_wait3A_614 = arith.constant 0 : i32
      %dma_wait3A_615 = tpu.memref_slice %arg6[%dma_wait3A_612, %dma_wait3A_613, %dma_wait3A_614] : memref<3x200x128xf32, #tpu.memory_space<vmem>> -> memref<1x200x128xf32, #tpu.memory_space<vmem>>
      %dma_wait3A_616 = tpu.memref_squeeze %dma_wait3A_615 : memref<1x200x128xf32, #tpu.memory_space<vmem>> -> memref<200x128xf32, #tpu.memory_space<vmem>>
      %dma_wait3A_617 = arith.constant 0 : i32
      %dma_wait3A_618 = arith.constant 0 : i32
      %dma_wait3A_619 = tpu.memref_slice %arg2[%dma_wait3A_617, %dma_wait3A_618] : memref<1000000x128xf32, #tpu.memory_space<hbm>> -> memref<200x128xf32, #tpu.memory_space<hbm>>
      %dma_wait3A_620 = arith.constant 0 : i32
      %dma_wait3A_621 = arith.constant 0 : i32
      %dma_wait3A_622 = tpu.memref_slice %arg6[%dma_wait3A_612, %dma_wait3A_620, %dma_wait3A_621] : memref<3x200x128xf32, #tpu.memory_space<vmem>> -> memref<1x200x128xf32, #tpu.memory_space<vmem>>
      %dma_wait3A_623 = tpu.memref_squeeze %dma_wait3A_622 : memref<1x200x128xf32, #tpu.memory_space<vmem>> -> memref<200x128xf32, #tpu.memory_space<vmem>>
      %dma_wait3A_624 = arith.constant 0 : i32
      %dma_wait3A_625 = arith.constant 0 : i32
      %dma_wait3A_626 = tpu.memref_slice %arg2[%dma_wait3A_624, %dma_wait3A_625] : memref<1000000x128xf32, #tpu.memory_space<hbm>> -> memref<200x128xf32, #tpu.memory_space<hbm>>
      tpu.wait_dma2 semaphore(%arg8 : memref<!tpu.dma_semaphore, #tpu.memory_space<semaphore_mem>>) src(%dma_wait3A_626 : memref<200x128xf32, #tpu.memory_space<hbm>>) dst(%dma_wait3A_623 : memref<200x128xf32, #tpu.memory_space<vmem>>)
      %add3A_627 = arith.constant 2 : i32
      %add3A_628 = arith.addi %add3A_393, %add3A_627 : i32
      %add3A_629 = arith.addi %mul3A_2, %add3A_628 : i32
      %dma_start3A_630 = arith.constant 1 : i32
      %dma_start3A_631 = arith.constant 0 : i32
      %dma_start3A_632 = arith.constant 0 : i32
      %dma_start3A_633 = tpu.memref_slice %arg6[%dma_start3A_630, %dma_start3A_631, %dma_start3A_632] : memref<3x200x128xf32, #tpu.memory_space<vmem>> -> memref<1x200x128xf32, #tpu.memory_space<vmem>>
      %dma_start3A_634 = tpu.memref_squeeze %dma_start3A_633 : memref<1x200x128xf32, #tpu.memory_space<vmem>> -> memref<200x128xf32, #tpu.memory_space<vmem>>
      %dma_start3A_635 = arith.constant 0 : i32
      %dma_start3A_636 = arith.constant 0 : i32
      %dma_start3A_637 = tpu.memref_slice %arg4[%add3A_629, %dma_start3A_635, %dma_start3A_636] : memref<4096x200x128xf32, #tpu.memory_space<hbm>> -> memref<1x200x128xf32, #tpu.memory_space<hbm>>
      %dma_start3A_638 = tpu.memref_squeeze %dma_start3A_637 : memref<1x200x128xf32, #tpu.memory_space<hbm>> -> memref<200x128xf32, #tpu.memory_space<hbm>>
      %dma_start3A_639 = arith.constant 0 : i32
      %dma_start3A_640 = arith.constant 0 : i32
      %dma_start3A_641 = tpu.memref_slice %arg4[%add3A_629, %dma_start3A_639, %dma_start3A_640] : memref<4096x200x128xf32, #tpu.memory_space<hbm>> -> memref<1x200x128xf32, #tpu.memory_space<hbm>>
      %dma_start3A_642 = tpu.memref_squeeze %dma_start3A_641 : memref<1x200x128xf32, #tpu.memory_space<hbm>> -> memref<200x128xf32, #tpu.memory_space<hbm>>
      %dma_start3A_643 = arith.constant 0 : i32
      %dma_start3A_644 = arith.constant 0 : i32
      %dma_start3A_645 = tpu.memref_slice %arg6[%dma_start3A_630, %dma_start3A_643, %dma_start3A_644] : memref<3x200x128xf32, #tpu.memory_space<vmem>> -> memref<1x200x128xf32, #tpu.memory_space<vmem>>
      %dma_start3A_646 = tpu.memref_squeeze %dma_start3A_645 : memref<1x200x128xf32, #tpu.memory_space<vmem>> -> memref<200x128xf32, #tpu.memory_space<vmem>>
      tpu.enqueue_dma source(%dma_start3A_646 : memref<200x128xf32, #tpu.memory_space<vmem>>) target(%dma_start3A_642 : memref<200x128xf32, #tpu.memory_space<hbm>>) target_semaphore(%arg11 : memref<!tpu.dma_semaphore, #tpu.memory_space<semaphore_mem>>)
    }
    %scan3A_144 = arith.constant 41 : i32
    %dma_wait3A_145 = arith.constant 0 : i32
    %dma_wait3A_146 = arith.constant 0 : i32
    %dma_wait3A_147 = arith.constant 0 : i32
    %dma_wait3A_148 = arith.constant 0 : i32
    %dma_wait3A_149 = tpu.memref_slice %arg6[%dma_wait3A_145, %dma_wait3A_147, %dma_wait3A_148] : memref<3x200x128xf32, #tpu.memory_space<vmem>> -> memref<1x200x128xf32, #tpu.memory_space<vmem>>
    %dma_wait3A_150 = tpu.memref_squeeze %dma_wait3A_149 : memref<1x200x128xf32, #tpu.memory_space<vmem>> -> memref<200x128xf32, #tpu.memory_space<vmem>>
    %dma_wait3A_151 = arith.constant 0 : i32
    %dma_wait3A_152 = arith.constant 0 : i32
    %dma_wait3A_153 = tpu.memref_slice %arg4[%dma_wait3A_146, %dma_wait3A_151, %dma_wait3A_152] : memref<4096x200x128xf32, #tpu.memory_space<hbm>> -> memref<1x200x128xf32, #tpu.memory_space<hbm>>
    %dma_wait3A_154 = tpu.memref_squeeze %dma_wait3A_153 : memref<1x200x128xf32, #tpu.memory_space<hbm>> -> memref<200x128xf32, #tpu.memory_space<hbm>>
    %dma_wait3A_155 = arith.constant 0 : i32
    %dma_wait3A_156 = arith.constant 0 : i32
    %dma_wait3A_157 = tpu.memref_slice %arg4[%dma_wait3A_146, %dma_wait3A_155, %dma_wait3A_156] : memref<4096x200x128xf32, #tpu.memory_space<hbm>> -> memref<1x200x128xf32, #tpu.memory_space<hbm>>
    %dma_wait3A_158 = tpu.memref_squeeze %dma_wait3A_157 : memref<1x200x128xf32, #tpu.memory_space<hbm>> -> memref<200x128xf32, #tpu.memory_space<hbm>>
    %dma_wait3A_159 = arith.constant 0 : i32
    %dma_wait3A_160 = arith.constant 0 : i32
    %dma_wait3A_161 = tpu.memref_slice %arg6[%dma_wait3A_145, %dma_wait3A_159, %dma_wait3A_160] : memref<3x200x128xf32, #tpu.memory_space<vmem>> -> memref<1x200x128xf32, #tpu.memory_space<vmem>>
    %dma_wait3A_162 = tpu.memref_squeeze %dma_wait3A_161 : memref<1x200x128xf32, #tpu.memory_space<vmem>> -> memref<200x128xf32, #tpu.memory_space<vmem>>
    tpu.wait_dma2 semaphore(%arg10 : memref<!tpu.dma_semaphore, #tpu.memory_space<semaphore_mem>>) src(%dma_wait3A_162 : memref<200x128xf32, #tpu.memory_space<vmem>>) dst(%dma_wait3A_158 : memref<200x128xf32, #tpu.memory_space<hbm>>)
    %dma_start3A_163 = arith.constant 252 : i32
    %dma_start3A_164 = arith.constant 0 : i32
    %dma_start3A_165 = arith.constant 0 : i32
    %dma_start3A_166 = arith.constant 0 : i32
    %dma_start3A_167 = tpu.memref_slice %arg6[%dma_start3A_164, %dma_start3A_165, %dma_start3A_166] : memref<3x200x128xf32, #tpu.memory_space<vmem>> -> memref<1x100x128xf32, #tpu.memory_space<vmem>>
    %dma_start3A_168 = tpu.memref_squeeze %dma_start3A_167 : memref<1x100x128xf32, #tpu.memory_space<vmem>> -> memref<100x128xf32, #tpu.memory_space<vmem>>
    %dma_start3A_169 = arith.constant 0 : i32
    %dma_start3A_170 = tpu.memref_slice %arg5[%dma_start3A_163, %dma_start3A_169] : memref<256x100xi32, #tpu.memory_space<vmem>> -> memref<1x100xi32, #tpu.memory_space<vmem>>
    %dma_start3A_171 = tpu.memref_squeeze %dma_start3A_170 : memref<1x100xi32, #tpu.memory_space<vmem>> -> memref<100xi32, #tpu.memory_space<vmem>>
    %dma_start3A_172 = arith.constant 0 : i32
    %dma_start3A_173 = arith.constant 0 : i32
    %dma_start3A_174 = tpu.memref_slice %arg2[%dma_start3A_172, %dma_start3A_173] : memref<1000000x128xf32, #tpu.memory_space<hbm>> -> memref<1000000x128xf32, #tpu.memory_space<hbm>>
    tpu.enqueue_indirect_dma source(%dma_start3A_174 : memref<1000000x128xf32, #tpu.memory_space<hbm>>) target(%dma_start3A_168 : memref<100x128xf32, #tpu.memory_space<vmem>>) offsets(%dma_start3A_171 : memref<100xi32, #tpu.memory_space<vmem>>) semaphore(%arg7 : memref<!tpu.dma_semaphore, #tpu.memory_space<semaphore_mem>>)
    %dma_start3A_175 = arith.constant 253 : i32
    %dma_start3A_176 = arith.constant 0 : i32
    %dma_start3A_177 = arith.constant 100 : i32
    %dma_start3A_178 = arith.constant 0 : i32
    %dma_start3A_179 = tpu.memref_slice %arg6[%dma_start3A_176, %dma_start3A_177, %dma_start3A_178] : memref<3x200x128xf32, #tpu.memory_space<vmem>> -> memref<1x100x128xf32, #tpu.memory_space<vmem>>
    %dma_start3A_180 = tpu.memref_squeeze %dma_start3A_179 : memref<1x100x128xf32, #tpu.memory_space<vmem>> -> memref<100x128xf32, #tpu.memory_space<vmem>>
    %dma_start3A_181 = arith.constant 0 : i32
    %dma_start3A_182 = tpu.memref_slice %arg5[%dma_start3A_175, %dma_start3A_181] : memref<256x100xi32, #tpu.memory_space<vmem>> -> memref<1x100xi32, #tpu.memory_space<vmem>>
    %dma_start3A_183 = tpu.memref_squeeze %dma_start3A_182 : memref<1x100xi32, #tpu.memory_space<vmem>> -> memref<100xi32, #tpu.memory_space<vmem>>
    %dma_start3A_184 = arith.constant 0 : i32
    %dma_start3A_185 = arith.constant 0 : i32
    %dma_start3A_186 = tpu.memref_slice %arg2[%dma_start3A_184, %dma_start3A_185] : memref<1000000x128xf32, #tpu.memory_space<hbm>> -> memref<1000000x128xf32, #tpu.memory_space<hbm>>
    tpu.enqueue_indirect_dma source(%dma_start3A_186 : memref<1000000x128xf32, #tpu.memory_space<hbm>>) target(%dma_start3A_180 : memref<100x128xf32, #tpu.memory_space<vmem>>) offsets(%dma_start3A_183 : memref<100xi32, #tpu.memory_space<vmem>>) semaphore(%arg7 : memref<!tpu.dma_semaphore, #tpu.memory_space<semaphore_mem>>)
    %dma_wait3A_187 = arith.constant 2 : i32
    %dma_wait3A_188 = arith.constant 0 : i32
    %dma_wait3A_189 = arith.constant 0 : i32
    %dma_wait3A_190 = tpu.memref_slice %arg6[%dma_wait3A_187, %dma_wait3A_188, %dma_wait3A_189] : memref<3x200x128xf32, #tpu.memory_space<vmem>> -> memref<1x200x128xf32, #tpu.memory_space<vmem>>
    %dma_wait3A_191 = tpu.memref_squeeze %dma_wait3A_190 : memref<1x200x128xf32, #tpu.memory_space<vmem>> -> memref<200x128xf32, #tpu.memory_space<vmem>>
    %dma_wait3A_192 = arith.constant 0 : i32
    %dma_wait3A_193 = arith.constant 0 : i32
    %dma_wait3A_194 = tpu.memref_slice %arg2[%dma_wait3A_192, %dma_wait3A_193] : memref<1000000x128xf32, #tpu.memory_space<hbm>> -> memref<200x128xf32, #tpu.memory_space<hbm>>
    %dma_wait3A_195 = arith.constant 0 : i32
    %dma_wait3A_196 = arith.constant 0 : i32
    %dma_wait3A_197 = tpu.memref_slice %arg6[%dma_wait3A_187, %dma_wait3A_195, %dma_wait3A_196] : memref<3x200x128xf32, #tpu.memory_space<vmem>> -> memref<1x200x128xf32, #tpu.memory_space<vmem>>
    %dma_wait3A_198 = tpu.memref_squeeze %dma_wait3A_197 : memref<1x200x128xf32, #tpu.memory_space<vmem>> -> memref<200x128xf32, #tpu.memory_space<vmem>>
    %dma_wait3A_199 = arith.constant 0 : i32
    %dma_wait3A_200 = arith.constant 0 : i32
    %dma_wait3A_201 = tpu.memref_slice %arg2[%dma_wait3A_199, %dma_wait3A_200] : memref<1000000x128xf32, #tpu.memory_space<hbm>> -> memref<200x128xf32, #tpu.memory_space<hbm>>
    tpu.wait_dma2 semaphore(%arg9 : memref<!tpu.dma_semaphore, #tpu.memory_space<semaphore_mem>>) src(%dma_wait3A_201 : memref<200x128xf32, #tpu.memory_space<hbm>>) dst(%dma_wait3A_198 : memref<200x128xf32, #tpu.memory_space<vmem>>)
    %add3A_202 = arith.constant 125 : i32
    %add3A_203 = arith.addi %mul3A_2, %add3A_202 : i32
    %dma_start3A_204 = arith.constant 2 : i32
    %dma_start3A_205 = arith.constant 0 : i32
    %dma_start3A_206 = arith.constant 0 : i32
    %dma_start3A_207 = tpu.memref_slice %arg6[%dma_start3A_204, %dma_start3A_205, %dma_start3A_206] : memref<3x200x128xf32, #tpu.memory_space<vmem>> -> memref<1x200x128xf32, #tpu.memory_space<vmem>>
    %dma_start3A_208 = tpu.memref_squeeze %dma_start3A_207 : memref<1x200x128xf32, #tpu.memory_space<vmem>> -> memref<200x128xf32, #tpu.memory_space<vmem>>
    %dma_start3A_209 = arith.constant 0 : i32
    %dma_start3A_210 = arith.constant 0 : i32
    %dma_start3A_211 = tpu.memref_slice %arg4[%add3A_203, %dma_start3A_209, %dma_start3A_210] : memref<4096x200x128xf32, #tpu.memory_space<hbm>> -> memref<1x200x128xf32, #tpu.memory_space<hbm>>
    %dma_start3A_212 = tpu.memref_squeeze %dma_start3A_211 : memref<1x200x128xf32, #tpu.memory_space<hbm>> -> memref<200x128xf32, #tpu.memory_space<hbm>>
    %dma_start3A_213 = arith.constant 0 : i32
    %dma_start3A_214 = arith.constant 0 : i32
    %dma_start3A_215 = tpu.memref_slice %arg4[%add3A_203, %dma_start3A_213, %dma_start3A_214] : memref<4096x200x128xf32, #tpu.memory_space<hbm>> -> memref<1x200x128xf32, #tpu.memory_space<hbm>>
    %dma_start3A_216 = tpu.memref_squeeze %dma_start3A_215 : memref<1x200x128xf32, #tpu.memory_space<hbm>> -> memref<200x128xf32, #tpu.memory_space<hbm>>
    %dma_start3A_217 = arith.constant 0 : i32
    %dma_start3A_218 = arith.constant 0 : i32
    %dma_start3A_219 = tpu.memref_slice %arg6[%dma_start3A_204, %dma_start3A_217, %dma_start3A_218] : memref<3x200x128xf32, #tpu.memory_space<vmem>> -> memref<1x200x128xf32, #tpu.memory_space<vmem>>
    %dma_start3A_220 = tpu.memref_squeeze %dma_start3A_219 : memref<1x200x128xf32, #tpu.memory_space<vmem>> -> memref<200x128xf32, #tpu.memory_space<vmem>>
    tpu.enqueue_dma source(%dma_start3A_220 : memref<200x128xf32, #tpu.memory_space<vmem>>) target(%dma_start3A_216 : memref<200x128xf32, #tpu.memory_space<hbm>>) target_semaphore(%arg12 : memref<!tpu.dma_semaphore, #tpu.memory_space<semaphore_mem>>)
    %dma_wait3A_221 = arith.constant 1 : i32
    %dma_wait3A_222 = arith.constant 0 : i32
    %dma_wait3A_223 = arith.constant 0 : i32
    %dma_wait3A_224 = arith.constant 0 : i32
    %dma_wait3A_225 = tpu.memref_slice %arg6[%dma_wait3A_221, %dma_wait3A_223, %dma_wait3A_224] : memref<3x200x128xf32, #tpu.memory_space<vmem>> -> memref<1x200x128xf32, #tpu.memory_space<vmem>>
    %dma_wait3A_226 = tpu.memref_squeeze %dma_wait3A_225 : memref<1x200x128xf32, #tpu.memory_space<vmem>> -> memref<200x128xf32, #tpu.memory_space<vmem>>
    %dma_wait3A_227 = arith.constant 0 : i32
    %dma_wait3A_228 = arith.constant 0 : i32
    %dma_wait3A_229 = tpu.memref_slice %arg4[%dma_wait3A_222, %dma_wait3A_227, %dma_wait3A_228] : memref<4096x200x128xf32, #tpu.memory_space<hbm>> -> memref<1x200x128xf32, #tpu.memory_space<hbm>>
    %dma_wait3A_230 = tpu.memref_squeeze %dma_wait3A_229 : memref<1x200x128xf32, #tpu.memory_space<hbm>> -> memref<200x128xf32, #tpu.memory_space<hbm>>
    %dma_wait3A_231 = arith.constant 0 : i32
    %dma_wait3A_232 = arith.constant 0 : i32
    %dma_wait3A_233 = tpu.memref_slice %arg4[%dma_wait3A_222, %dma_wait3A_231, %dma_wait3A_232] : memref<4096x200x128xf32, #tpu.memory_space<hbm>> -> memref<1x200x128xf32, #tpu.memory_space<hbm>>
    %dma_wait3A_234 = tpu.memref_squeeze %dma_wait3A_233 : memref<1x200x128xf32, #tpu.memory_space<hbm>> -> memref<200x128xf32, #tpu.memory_space<hbm>>
    %dma_wait3A_235 = arith.constant 0 : i32
    %dma_wait3A_236 = arith.constant 0 : i32
    %dma_wait3A_237 = tpu.memref_slice %arg6[%dma_wait3A_221, %dma_wait3A_235, %dma_wait3A_236] : memref<3x200x128xf32, #tpu.memory_space<vmem>> -> memref<1x200x128xf32, #tpu.memory_space<vmem>>
    %dma_wait3A_238 = tpu.memref_squeeze %dma_wait3A_237 : memref<1x200x128xf32, #tpu.memory_space<vmem>> -> memref<200x128xf32, #tpu.memory_space<vmem>>
    tpu.wait_dma2 semaphore(%arg11 : memref<!tpu.dma_semaphore, #tpu.memory_space<semaphore_mem>>) src(%dma_wait3A_238 : memref<200x128xf32, #tpu.memory_space<vmem>>) dst(%dma_wait3A_234 : memref<200x128xf32, #tpu.memory_space<hbm>>)
    %dma_start3A_239 = arith.constant 254 : i32
    %dma_start3A_240 = arith.constant 1 : i32
    %dma_start3A_241 = arith.constant 0 : i32
    %dma_start3A_242 = arith.constant 0 : i32
    %dma_start3A_243 = tpu.memref_slice %arg6[%dma_start3A_240, %dma_start3A_241, %dma_start3A_242] : memref<3x200x128xf32, #tpu.memory_space<vmem>> -> memref<1x100x128xf32, #tpu.memory_space<vmem>>
    %dma_start3A_244 = tpu.memref_squeeze %dma_start3A_243 : memref<1x100x128xf32, #tpu.memory_space<vmem>> -> memref<100x128xf32, #tpu.memory_space<vmem>>
    %dma_start3A_245 = arith.constant 0 : i32
    %dma_start3A_246 = tpu.memref_slice %arg5[%dma_start3A_239, %dma_start3A_245] : memref<256x100xi32, #tpu.memory_space<vmem>> -> memref<1x100xi32, #tpu.memory_space<vmem>>
    %dma_start3A_247 = tpu.memref_squeeze %dma_start3A_246 : memref<1x100xi32, #tpu.memory_space<vmem>> -> memref<100xi32, #tpu.memory_space<vmem>>
    %dma_start3A_248 = arith.constant 0 : i32
    %dma_start3A_249 = arith.constant 0 : i32
    %dma_start3A_250 = tpu.memref_slice %arg2[%dma_start3A_248, %dma_start3A_249] : memref<1000000x128xf32, #tpu.memory_space<hbm>> -> memref<1000000x128xf32, #tpu.memory_space<hbm>>
    tpu.enqueue_indirect_dma source(%dma_start3A_250 : memref<1000000x128xf32, #tpu.memory_space<hbm>>) target(%dma_start3A_244 : memref<100x128xf32, #tpu.memory_space<vmem>>) offsets(%dma_start3A_247 : memref<100xi32, #tpu.memory_space<vmem>>) semaphore(%arg8 : memref<!tpu.dma_semaphore, #tpu.memory_space<semaphore_mem>>)
    %dma_start3A_251 = arith.constant 255 : i32
    %dma_start3A_252 = arith.constant 1 : i32
    %dma_start3A_253 = arith.constant 100 : i32
    %dma_start3A_254 = arith.constant 0 : i32
    %dma_start3A_255 = tpu.memref_slice %arg6[%dma_start3A_252, %dma_start3A_253, %dma_start3A_254] : memref<3x200x128xf32, #tpu.memory_space<vmem>> -> memref<1x100x128xf32, #tpu.memory_space<vmem>>
    %dma_start3A_256 = tpu.memref_squeeze %dma_start3A_255 : memref<1x100x128xf32, #tpu.memory_space<vmem>> -> memref<100x128xf32, #tpu.memory_space<vmem>>
    %dma_start3A_257 = arith.constant 0 : i32
    %dma_start3A_258 = tpu.memref_slice %arg5[%dma_start3A_251, %dma_start3A_257] : memref<256x100xi32, #tpu.memory_space<vmem>> -> memref<1x100xi32, #tpu.memory_space<vmem>>
    %dma_start3A_259 = tpu.memref_squeeze %dma_start3A_258 : memref<1x100xi32, #tpu.memory_space<vmem>> -> memref<100xi32, #tpu.memory_space<vmem>>
    %dma_start3A_260 = arith.constant 0 : i32
    %dma_start3A_261 = arith.constant 0 : i32
    %dma_start3A_262 = tpu.memref_slice %arg2[%dma_start3A_260, %dma_start3A_261] : memref<1000000x128xf32, #tpu.memory_space<hbm>> -> memref<1000000x128xf32, #tpu.memory_space<hbm>>
    tpu.enqueue_indirect_dma source(%dma_start3A_262 : memref<1000000x128xf32, #tpu.memory_space<hbm>>) target(%dma_start3A_256 : memref<100x128xf32, #tpu.memory_space<vmem>>) offsets(%dma_start3A_259 : memref<100xi32, #tpu.memory_space<vmem>>) semaphore(%arg8 : memref<!tpu.dma_semaphore, #tpu.memory_space<semaphore_mem>>)
    %dma_wait3A_263 = arith.constant 0 : i32
    %dma_wait3A_264 = arith.constant 0 : i32
    %dma_wait3A_265 = arith.constant 0 : i32
    %dma_wait3A_266 = tpu.memref_slice %arg6[%dma_wait3A_263, %dma_wait3A_264, %dma_wait3A_265] : memref<3x200x128xf32, #tpu.memory_space<vmem>> -> memref<1x200x128xf32, #tpu.memory_space<vmem>>
    %dma_wait3A_267 = tpu.memref_squeeze %dma_wait3A_266 : memref<1x200x128xf32, #tpu.memory_space<vmem>> -> memref<200x128xf32, #tpu.memory_space<vmem>>
    %dma_wait3A_268 = arith.constant 0 : i32
    %dma_wait3A_269 = arith.constant 0 : i32
    %dma_wait3A_270 = tpu.memref_slice %arg2[%dma_wait3A_268, %dma_wait3A_269] : memref<1000000x128xf32, #tpu.memory_space<hbm>> -> memref<200x128xf32, #tpu.memory_space<hbm>>
    %dma_wait3A_271 = arith.constant 0 : i32
    %dma_wait3A_272 = arith.constant 0 : i32
    %dma_wait3A_273 = tpu.memref_slice %arg6[%dma_wait3A_263, %dma_wait3A_271, %dma_wait3A_272] : memref<3x200x128xf32, #tpu.memory_space<vmem>> -> memref<1x200x128xf32, #tpu.memory_space<vmem>>
    %dma_wait3A_274 = tpu.memref_squeeze %dma_wait3A_273 : memref<1x200x128xf32, #tpu.memory_space<vmem>> -> memref<200x128xf32, #tpu.memory_space<vmem>>
    %dma_wait3A_275 = arith.constant 0 : i32
    %dma_wait3A_276 = arith.constant 0 : i32
    %dma_wait3A_277 = tpu.memref_slice %arg2[%dma_wait3A_275, %dma_wait3A_276] : memref<1000000x128xf32, #tpu.memory_space<hbm>> -> memref<200x128xf32, #tpu.memory_space<hbm>>
    tpu.wait_dma2 semaphore(%arg7 : memref<!tpu.dma_semaphore, #tpu.memory_space<semaphore_mem>>) src(%dma_wait3A_277 : memref<200x128xf32, #tpu.memory_space<hbm>>) dst(%dma_wait3A_274 : memref<200x128xf32, #tpu.memory_space<vmem>>)
    %add3A_278 = arith.constant 126 : i32
    %add3A_279 = arith.addi %mul3A_2, %add3A_278 : i32
    %dma_start3A_280 = arith.constant 0 : i32
    %dma_start3A_281 = arith.constant 0 : i32
    %dma_start3A_282 = arith.constant 0 : i32
    %dma_start3A_283 = tpu.memref_slice %arg6[%dma_start3A_280, %dma_start3A_281, %dma_start3A_282] : memref<3x200x128xf32, #tpu.memory_space<vmem>> -> memref<1x200x128xf32, #tpu.memory_space<vmem>>
    %dma_start3A_284 = tpu.memref_squeeze %dma_start3A_283 : memref<1x200x128xf32, #tpu.memory_space<vmem>> -> memref<200x128xf32, #tpu.memory_space<vmem>>
    %dma_start3A_285 = arith.constant 0 : i32
    %dma_start3A_286 = arith.constant 0 : i32
    %dma_start3A_287 = tpu.memref_slice %arg4[%add3A_279, %dma_start3A_285, %dma_start3A_286] : memref<4096x200x128xf32, #tpu.memory_space<hbm>> -> memref<1x200x128xf32, #tpu.memory_space<hbm>>
    %dma_start3A_288 = tpu.memref_squeeze %dma_start3A_287 : memref<1x200x128xf32, #tpu.memory_space<hbm>> -> memref<200x128xf32, #tpu.memory_space<hbm>>
    %dma_start3A_289 = arith.constant 0 : i32
    %dma_start3A_290 = arith.constant 0 : i32
    %dma_start3A_291 = tpu.memref_slice %arg4[%add3A_279, %dma_start3A_289, %dma_start3A_290] : memref<4096x200x128xf32, #tpu.memory_space<hbm>> -> memref<1x200x128xf32, #tpu.memory_space<hbm>>
    %dma_start3A_292 = tpu.memref_squeeze %dma_start3A_291 : memref<1x200x128xf32, #tpu.memory_space<hbm>> -> memref<200x128xf32, #tpu.memory_space<hbm>>
    %dma_start3A_293 = arith.constant 0 : i32
    %dma_start3A_294 = arith.constant 0 : i32
    %dma_start3A_295 = tpu.memref_slice %arg6[%dma_start3A_280, %dma_start3A_293, %dma_start3A_294] : memref<3x200x128xf32, #tpu.memory_space<vmem>> -> memref<1x200x128xf32, #tpu.memory_space<vmem>>
    %dma_start3A_296 = tpu.memref_squeeze %dma_start3A_295 : memref<1x200x128xf32, #tpu.memory_space<vmem>> -> memref<200x128xf32, #tpu.memory_space<vmem>>
    tpu.enqueue_dma source(%dma_start3A_296 : memref<200x128xf32, #tpu.memory_space<vmem>>) target(%dma_start3A_292 : memref<200x128xf32, #tpu.memory_space<hbm>>) target_semaphore(%arg10 : memref<!tpu.dma_semaphore, #tpu.memory_space<semaphore_mem>>)
    %dma_wait3A_297 = arith.constant 2 : i32
    %dma_wait3A_298 = arith.constant 0 : i32
    %dma_wait3A_299 = arith.constant 0 : i32
    %dma_wait3A_300 = arith.constant 0 : i32
    %dma_wait3A_301 = tpu.memref_slice %arg6[%dma_wait3A_297, %dma_wait3A_299, %dma_wait3A_300] : memref<3x200x128xf32, #tpu.memory_space<vmem>> -> memref<1x200x128xf32, #tpu.memory_space<vmem>>
    %dma_wait3A_302 = tpu.memref_squeeze %dma_wait3A_301 : memref<1x200x128xf32, #tpu.memory_space<vmem>> -> memref<200x128xf32, #tpu.memory_space<vmem>>
    %dma_wait3A_303 = arith.constant 0 : i32
    %dma_wait3A_304 = arith.constant 0 : i32
    %dma_wait3A_305 = tpu.memref_slice %arg4[%dma_wait3A_298, %dma_wait3A_303, %dma_wait3A_304] : memref<4096x200x128xf32, #tpu.memory_space<hbm>> -> memref<1x200x128xf32, #tpu.memory_space<hbm>>
    %dma_wait3A_306 = tpu.memref_squeeze %dma_wait3A_305 : memref<1x200x128xf32, #tpu.memory_space<hbm>> -> memref<200x128xf32, #tpu.memory_space<hbm>>
    %dma_wait3A_307 = arith.constant 0 : i32
    %dma_wait3A_308 = arith.constant 0 : i32
    %dma_wait3A_309 = tpu.memref_slice %arg4[%dma_wait3A_298, %dma_wait3A_307, %dma_wait3A_308] : memref<4096x200x128xf32, #tpu.memory_space<hbm>> -> memref<1x200x128xf32, #tpu.memory_space<hbm>>
    %dma_wait3A_310 = tpu.memref_squeeze %dma_wait3A_309 : memref<1x200x128xf32, #tpu.memory_space<hbm>> -> memref<200x128xf32, #tpu.memory_space<hbm>>
    %dma_wait3A_311 = arith.constant 0 : i32
    %dma_wait3A_312 = arith.constant 0 : i32
    %dma_wait3A_313 = tpu.memref_slice %arg6[%dma_wait3A_297, %dma_wait3A_311, %dma_wait3A_312] : memref<3x200x128xf32, #tpu.memory_space<vmem>> -> memref<1x200x128xf32, #tpu.memory_space<vmem>>
    %dma_wait3A_314 = tpu.memref_squeeze %dma_wait3A_313 : memref<1x200x128xf32, #tpu.memory_space<vmem>> -> memref<200x128xf32, #tpu.memory_space<vmem>>
    tpu.wait_dma2 semaphore(%arg12 : memref<!tpu.dma_semaphore, #tpu.memory_space<semaphore_mem>>) src(%dma_wait3A_314 : memref<200x128xf32, #tpu.memory_space<vmem>>) dst(%dma_wait3A_310 : memref<200x128xf32, #tpu.memory_space<hbm>>)
    %dma_wait3A_315 = arith.constant 1 : i32
    %dma_wait3A_316 = arith.constant 0 : i32
    %dma_wait3A_317 = arith.constant 0 : i32
    %dma_wait3A_318 = tpu.memref_slice %arg6[%dma_wait3A_315, %dma_wait3A_316, %dma_wait3A_317] : memref<3x200x128xf32, #tpu.memory_space<vmem>> -> memref<1x200x128xf32, #tpu.memory_space<vmem>>
    %dma_wait3A_319 = tpu.memref_squeeze %dma_wait3A_318 : memref<1x200x128xf32, #tpu.memory_space<vmem>> -> memref<200x128xf32, #tpu.memory_space<vmem>>
    %dma_wait3A_320 = arith.constant 0 : i32
    %dma_wait3A_321 = arith.constant 0 : i32
    %dma_wait3A_322 = tpu.memref_slice %arg2[%dma_wait3A_320, %dma_wait3A_321] : memref<1000000x128xf32, #tpu.memory_space<hbm>> -> memref<200x128xf32, #tpu.memory_space<hbm>>
    %dma_wait3A_323 = arith.constant 0 : i32
    %dma_wait3A_324 = arith.constant 0 : i32
    %dma_wait3A_325 = tpu.memref_slice %arg6[%dma_wait3A_315, %dma_wait3A_323, %dma_wait3A_324] : memref<3x200x128xf32, #tpu.memory_space<vmem>> -> memref<1x200x128xf32, #tpu.memory_space<vmem>>
    %dma_wait3A_326 = tpu.memref_squeeze %dma_wait3A_325 : memref<1x200x128xf32, #tpu.memory_space<vmem>> -> memref<200x128xf32, #tpu.memory_space<vmem>>
    %dma_wait3A_327 = arith.constant 0 : i32
    %dma_wait3A_328 = arith.constant 0 : i32
    %dma_wait3A_329 = tpu.memref_slice %arg2[%dma_wait3A_327, %dma_wait3A_328] : memref<1000000x128xf32, #tpu.memory_space<hbm>> -> memref<200x128xf32, #tpu.memory_space<hbm>>
    tpu.wait_dma2 semaphore(%arg8 : memref<!tpu.dma_semaphore, #tpu.memory_space<semaphore_mem>>) src(%dma_wait3A_329 : memref<200x128xf32, #tpu.memory_space<hbm>>) dst(%dma_wait3A_326 : memref<200x128xf32, #tpu.memory_space<vmem>>)
    %add3A_330 = arith.constant 127 : i32
    %add3A_331 = arith.addi %mul3A_2, %add3A_330 : i32
    %dma_start3A_332 = arith.constant 1 : i32
    %dma_start3A_333 = arith.constant 0 : i32
    %dma_start3A_334 = arith.constant 0 : i32
    %dma_start3A_335 = tpu.memref_slice %arg6[%dma_start3A_332, %dma_start3A_333, %dma_start3A_334] : memref<3x200x128xf32, #tpu.memory_space<vmem>> -> memref<1x200x128xf32, #tpu.memory_space<vmem>>
    %dma_start3A_336 = tpu.memref_squeeze %dma_start3A_335 : memref<1x200x128xf32, #tpu.memory_space<vmem>> -> memref<200x128xf32, #tpu.memory_space<vmem>>
    %dma_start3A_337 = arith.constant 0 : i32
    %dma_start3A_338 = arith.constant 0 : i32
    %dma_start3A_339 = tpu.memref_slice %arg4[%add3A_331, %dma_start3A_337, %dma_start3A_338] : memref<4096x200x128xf32, #tpu.memory_space<hbm>> -> memref<1x200x128xf32, #tpu.memory_space<hbm>>
    %dma_start3A_340 = tpu.memref_squeeze %dma_start3A_339 : memref<1x200x128xf32, #tpu.memory_space<hbm>> -> memref<200x128xf32, #tpu.memory_space<hbm>>
    %dma_start3A_341 = arith.constant 0 : i32
    %dma_start3A_342 = arith.constant 0 : i32
    %dma_start3A_343 = tpu.memref_slice %arg4[%add3A_331, %dma_start3A_341, %dma_start3A_342] : memref<4096x200x128xf32, #tpu.memory_space<hbm>> -> memref<1x200x128xf32, #tpu.memory_space<hbm>>
    %dma_start3A_344 = tpu.memref_squeeze %dma_start3A_343 : memref<1x200x128xf32, #tpu.memory_space<hbm>> -> memref<200x128xf32, #tpu.memory_space<hbm>>
    %dma_start3A_345 = arith.constant 0 : i32
    %dma_start3A_346 = arith.constant 0 : i32
    %dma_start3A_347 = tpu.memref_slice %arg6[%dma_start3A_332, %dma_start3A_345, %dma_start3A_346] : memref<3x200x128xf32, #tpu.memory_space<vmem>> -> memref<1x200x128xf32, #tpu.memory_space<vmem>>
    %dma_start3A_348 = tpu.memref_squeeze %dma_start3A_347 : memref<1x200x128xf32, #tpu.memory_space<vmem>> -> memref<200x128xf32, #tpu.memory_space<vmem>>
    tpu.enqueue_dma source(%dma_start3A_348 : memref<200x128xf32, #tpu.memory_space<vmem>>) target(%dma_start3A_344 : memref<200x128xf32, #tpu.memory_space<hbm>>) target_semaphore(%arg11 : memref<!tpu.dma_semaphore, #tpu.memory_space<semaphore_mem>>)
    %dma_wait3A_349 = arith.constant 0 : i32
    %dma_wait3A_350 = arith.constant 0 : i32
    %dma_wait3A_351 = arith.constant 0 : i32
    %dma_wait3A_352 = arith.constant 0 : i32
    %dma_wait3A_353 = tpu.memref_slice %arg6[%dma_wait3A_349, %dma_wait3A_351, %dma_wait3A_352] : memref<3x200x128xf32, #tpu.memory_space<vmem>> -> memref<1x200x128xf32, #tpu.memory_space<vmem>>
    %dma_wait3A_354 = tpu.memref_squeeze %dma_wait3A_353 : memref<1x200x128xf32, #tpu.memory_space<vmem>> -> memref<200x128xf32, #tpu.memory_space<vmem>>
    %dma_wait3A_355 = arith.constant 0 : i32
    %dma_wait3A_356 = arith.constant 0 : i32
    %dma_wait3A_357 = tpu.memref_slice %arg4[%dma_wait3A_350, %dma_wait3A_355, %dma_wait3A_356] : memref<4096x200x128xf32, #tpu.memory_space<hbm>> -> memref<1x200x128xf32, #tpu.memory_space<hbm>>
    %dma_wait3A_358 = tpu.memref_squeeze %dma_wait3A_357 : memref<1x200x128xf32, #tpu.memory_space<hbm>> -> memref<200x128xf32, #tpu.memory_space<hbm>>
    %dma_wait3A_359 = arith.constant 0 : i32
    %dma_wait3A_360 = arith.constant 0 : i32
    %dma_wait3A_361 = tpu.memref_slice %arg4[%dma_wait3A_350, %dma_wait3A_359, %dma_wait3A_360] : memref<4096x200x128xf32, #tpu.memory_space<hbm>> -> memref<1x200x128xf32, #tpu.memory_space<hbm>>
    %dma_wait3A_362 = tpu.memref_squeeze %dma_wait3A_361 : memref<1x200x128xf32, #tpu.memory_space<hbm>> -> memref<200x128xf32, #tpu.memory_space<hbm>>
    %dma_wait3A_363 = arith.constant 0 : i32
    %dma_wait3A_364 = arith.constant 0 : i32
    %dma_wait3A_365 = tpu.memref_slice %arg6[%dma_wait3A_349, %dma_wait3A_363, %dma_wait3A_364] : memref<3x200x128xf32, #tpu.memory_space<vmem>> -> memref<1x200x128xf32, #tpu.memory_space<vmem>>
    %dma_wait3A_366 = tpu.memref_squeeze %dma_wait3A_365 : memref<1x200x128xf32, #tpu.memory_space<vmem>> -> memref<200x128xf32, #tpu.memory_space<vmem>>
    tpu.wait_dma2 semaphore(%arg10 : memref<!tpu.dma_semaphore, #tpu.memory_space<semaphore_mem>>) src(%dma_wait3A_366 : memref<200x128xf32, #tpu.memory_space<vmem>>) dst(%dma_wait3A_362 : memref<200x128xf32, #tpu.memory_space<hbm>>)
    %dma_wait3A_367 = arith.constant 1 : i32
    %dma_wait3A_368 = arith.constant 0 : i32
    %dma_wait3A_369 = arith.constant 0 : i32
    %dma_wait3A_370 = arith.constant 0 : i32
    %dma_wait3A_371 = tpu.memref_slice %arg6[%dma_wait3A_367, %dma_wait3A_369, %dma_wait3A_370] : memref<3x200x128xf32, #tpu.memory_space<vmem>> -> memref<1x200x128xf32, #tpu.memory_space<vmem>>
    %dma_wait3A_372 = tpu.memref_squeeze %dma_wait3A_371 : memref<1x200x128xf32, #tpu.memory_space<vmem>> -> memref<200x128xf32, #tpu.memory_space<vmem>>
    %dma_wait3A_373 = arith.constant 0 : i32
    %dma_wait3A_374 = arith.constant 0 : i32
    %dma_wait3A_375 = tpu.memref_slice %arg4[%dma_wait3A_368, %dma_wait3A_373, %dma_wait3A_374] : memref<4096x200x128xf32, #tpu.memory_space<hbm>> -> memref<1x200x128xf32, #tpu.memory_space<hbm>>
    %dma_wait3A_376 = tpu.memref_squeeze %dma_wait3A_375 : memref<1x200x128xf32, #tpu.memory_space<hbm>> -> memref<200x128xf32, #tpu.memory_space<hbm>>
    %dma_wait3A_377 = arith.constant 0 : i32
    %dma_wait3A_378 = arith.constant 0 : i32
    %dma_wait3A_379 = tpu.memref_slice %arg4[%dma_wait3A_368, %dma_wait3A_377, %dma_wait3A_378] : memref<4096x200x128xf32, #tpu.memory_space<hbm>> -> memref<1x200x128xf32, #tpu.memory_space<hbm>>
    %dma_wait3A_380 = tpu.memref_squeeze %dma_wait3A_379 : memref<1x200x128xf32, #tpu.memory_space<hbm>> -> memref<200x128xf32, #tpu.memory_space<hbm>>
    %dma_wait3A_381 = arith.constant 0 : i32
    %dma_wait3A_382 = arith.constant 0 : i32
    %dma_wait3A_383 = tpu.memref_slice %arg6[%dma_wait3A_367, %dma_wait3A_381, %dma_wait3A_382] : memref<3x200x128xf32, #tpu.memory_space<vmem>> -> memref<1x200x128xf32, #tpu.memory_space<vmem>>
    %dma_wait3A_384 = tpu.memref_squeeze %dma_wait3A_383 : memref<1x200x128xf32, #tpu.memory_space<vmem>> -> memref<200x128xf32, #tpu.memory_space<vmem>>
    tpu.wait_dma2 semaphore(%arg11 : memref<!tpu.dma_semaphore, #tpu.memory_space<semaphore_mem>>) src(%dma_wait3A_384 : memref<200x128xf32, #tpu.memory_space<vmem>>) dst(%dma_wait3A_380 : memref<200x128xf32, #tpu.memory_space<hbm>>)
    return
  }
}

</mosaic_0001>

<sc_bundles>
// kernel: _sc_gather.3.cloned.1.call-start
scs
__scs_entry_jumppad:
0x0: {  	(pc) =	sbr.rel $0x88, $3  }
0x1: {  	(tag) =	ssettag $0x0;
	lr =	simm.s32 $0x1  }
0x2: {  	[smem:$0x3F9F] =	sst lr;
	_ =	strace $0xD0000000  }
0x3: {  	_ = 	snop  }
0x4: {  	_ = 	snop  }
0x5: {  	_ = 	snop  }
0x6: {  	_ = 	snop  }
0x7: {  	_ = 	snop  }
__scs_overlays_trampoline_lowered:
0x8: {  	[smem:$0x3FAE] =	sst s0  }
0x9: {  	[smem:$0x3FAF] =	sst s1  }
0xa: {  	[smem:$0x3FB0] =	sst s2  }
0xb: {  	[smem:$0x3FB1] =	sst s3  }
0xc: {  	[smem:$0x3FB2] =	sst s4  }
0xd: {  	[smem:$0x3FB3] =	sst s5  }
0xe: {  	[smem:$0x3FB4] =	sst s6  }
0xf: {  	[smem:$0x3FB5] =	sst s7  }
0x10: {  	[smem:$0x3FB6] =	sst s8  }
0x11: {  	[smem:$0x3FB7] =	sst s9;
	s0 =	simm.s32 @!p0 $0x0  }
0x12: {  	s1 =	sld [smem:$0x3F9D];
	s0 =	simm.s32 @p0 $0x1  }
0x13: {  	[smem:$0x3FB8] =	sst s0;
	s0 =	simm.s32 @!p1 $0x0  }
0x14: {  	s2 =	sld [smem:$0x3F9C];
	s0 =	simm.s32 @p1 $0x1  }
0x15: {  	[smem:$0x3FB9] =	sst s0;
	s0 =	simm.s32 @!p2 $0x0  }
0x16: {  	s3 =	sld [smem:$0x3FDB];
	s0 =	simm.s32 @p2 $0x1  }
0x17: {  	s4 =	simm.s32 $0x1BF5;
	[smem:$0x3FBB] =	sst s0  }
0x18: {  	s0 =	sld [smem:$0x3F9E];
	_ =	swait.ge [sflag:s4], $0x0  }
0x19: {  	s7 =	sld [smem:$0x3F9F]  }
0x1a: {  	s8 =	sadd.s32 $0xFFFFE003, lr  }
0x1b: {  	s9 =	sadd.s32 $0xFFFFFEF7, lr;
	s5 =	simm.s32 $0xFFFFFFFF;
	p2 =	slt.u32 s8, $0xFFFFF086  }
0x1c: {  	p1 =	slt.u32 s9, $0xF7A;
	s5 =	simm.s32 @!p2 $0x0  }
0x1d: {  	s5 =	simm.s32 @p1 $0x1;
	p0 =	seq.s32 s7, s2  }
0x1e: {  	s7 =	smul.u32 @!p0 $0xF7A, s2;
	p2 =	seq.s32 @!p0 s5, $0x0  }
0x1f: {  	s9 =	smul.u32 $0xF7A, s1;
	s8 =	simm.s32 @!p0 $0x1BF5;
	p2 =	por !p2, p0  }
0x20: {  	[sflag:s8] =	ssyncset.s32 @!p0 $0xFFFFF086;
	s6 =	sadd.s32 @!p0 s3, s7;
	s7 =	simm.s32 @!p0 $0x108  }
0x21: {  	s3 =	sadd.s32 s3, s9;
	s6 =	sadd.s32 @!p0 $0x88, s6;
	s7 =	simm.s32 @p2 $0x1082  }
0x22: {  	[simem:s7], [sflag:s8] =	dma.local @!p0 [hbm:s6], $0xF7A  }
0x23: {  	s9 =	sor.u32 $0xD0000000, s2;
	s6 =	simm.s32 $0x108;
	_ =	swait.ge @!p0 [sflag:s8], $0x0  }
0x24: {  	s3 =	sadd.s32 $0x88, s3;
	s6 =	simm.s32 @!p1 $0x1082;
	[sflag:s4] =	ssyncset.s32 $0xFFFFF086  }
0x25: {  	[simem:s6], [sflag:s4] =	dma.local [hbm:s3], $0xF7A  }
0x26: {  	[smem:$0x3F9F] =	sst s1;
	(tag) =	ssettag s2;
	_ =	strace s9  }
0x27: {  	s1 =	sld [smem:$0x3FAF]  }
0x28: {  	s2 =	sld [smem:$0x3FB0]  }
0x29: {  	s4 =	sld [smem:$0x3FB2]  }
0x2a: {  	p0 =	seq.s32 s5, $0x0;
	s5 =	sld [smem:$0x3FB3]  }
0x2b: {  	s6 =	sld [smem:$0x3FB4]  }
0x2c: {  	s7 =	sld [smem:$0x3FB5]  }
0x2d: {  	s3 =	simm.s32 $0x108;
	s8 =	sld [smem:$0x3FB6]  }
0x2e: {  	s3 =	simm.s32 @!p0 $0x1082;
	s9 =	sld [smem:$0x3FB7]  }
0x2f: {  	lr =	sadd.s32 s0, s3;
	s0 =	sld [smem:$0x3FAE]  }
0x30: {  	s3 =	sld [smem:$0x3FB1]  }
0x31: {  	[smem:$0x3FBA] =	sst s10  }
0x32: {  	s10 =	sld [smem:$0x3FB8];
	_ =	sdelay $0x3  }
0x33: {  	p0 =	seq.s32 s10, $0x1;
	s10 =	sld [smem:$0x3FBA];
	_ =	sdelay $0x3  }
0x34: {  	[smem:$0x3FBA] =	sst s10  }
0x35: {  	s10 =	sld [smem:$0x3FB9];
	_ =	sdelay $0x3  }
0x36: {  	p1 =	seq.s32 s10, $0x1;
	s10 =	sld [smem:$0x3FBA];
	_ =	sdelay $0x3  }
0x37: {  	[smem:$0x3FBA] =	sst s10  }
0x38: {  	s10 =	sld [smem:$0x3FBB]  }
0x39: {  	_ = 	snop;
	(pc) =	sbr.ind lr, $3  }
0x3a: {  	_ = 	snop  }
0x3b: {  	_ = 	snop  }
0x3c: {  	p2 =	seq.s32 s10, $0x1;
	s10 =	sld [smem:$0x3FBA]  }
0x3d: {  	_ =	shalt  }
0x3e: {  	_ =	shalt  }
0x3f: {  	_ =	shalt  }
0x40: {  	_ =	shalt  }
0x41: {  	_ =	shalt  }
0x42: {  	_ =	shalt  }
0x43: {  	_ =	shalt  }
0x44: {  	_ =	shalt  }
0x45: {  	_ =	shalt  }
0x46: {  	_ =	shalt  }
0x47: {  	_ =	shalt  }
0x48: {  	_ =	shalt  }
0x49: {  	_ =	shalt  }
0x4a: {  	_ =	shalt  }
0x4b: {  	_ =	shalt  }
0x4c: {  	_ =	shalt  }
0x4d: {  	_ =	shalt  }
0x4e: {  	_ =	shalt  }
0x4f: {  	_ =	shalt  }
0x50: {  	_ =	shalt  }
0x51: {  	_ =	shalt  }
0x52: {  	_ =	shalt  }
0x53: {  	_ =	shalt  }
0x54: {  	_ =	shalt  }
0x55: {  	_ =	shalt  }
0x56: {  	_ =	shalt  }
0x57: {  	_ =	shalt  }
0x58: {  	_ =	shalt  }
0x59: {  	_ =	shalt  }
0x5a: {  	_ =	shalt  }
0x5b: {  	_ =	shalt  }
0x5c: {  	_ =	shalt  }
0x5d: {  	_ =	shalt  }
0x5e: {  	_ =	shalt  }
0x5f: {  	_ =	shalt  }
0x60: {  	_ =	shalt  }
0x61: {  	_ =	shalt  }
0x62: {  	_ =	shalt  }
0x63: {  	_ =	shalt  }
0x64: {  	_ =	shalt  }
0x65: {  	_ =	shalt  }
0x66: {  	_ =	shalt  }
0x67: {  	_ =	shalt  }
0x68: {  	_ =	shalt  }
0x69: {  	_ =	shalt  }
0x6a: {  	_ =	shalt  }
0x6b: {  	_ =	shalt  }
0x6c: {  	_ =	shalt  }
0x6d: {  	_ =	shalt  }
0x6e: {  	_ =	shalt  }
0x6f: {  	_ =	shalt  }
0x70: {  	_ =	shalt  }
0x71: {  	_ =	shalt  }
0x72: {  	_ =	shalt  }
0x73: {  	_ =	shalt  }
0x74: {  	_ =	shalt  }
0x75: {  	_ =	shalt  }
0x76: {  	_ =	shalt  }
0x77: {  	_ =	shalt  }
0x78: {  	_ =	shalt  }
0x79: {  	_ =	shalt  }
0x7a: {  	_ =	shalt  }
0x7b: {  	_ =	shalt  }
0x7c: {  	_ =	shalt  }
0x7d: {  	_ =	shalt  }
0x7e: {  	_ =	shalt  }
0x7f: {  	_ =	shalt  }
0x80: {  	_ =	shalt  }
0x81: {  	_ =	shalt  }
0x82: {  	_ =	shalt  }
0x83: {  	_ =	shalt  }
0x84: {  	_ =	shalt  }
0x85: {  	_ =	shalt  }
0x86: {  	_ =	shalt  }
0x87: {  	_ =	shalt  }
.Lfunc_end0:
.L_simem_size_0:
called_computation_lowered:
.L_overlay_start_0:
0x88: {  	s2 =	sld [smem:$0x3FD9]  }
0x89: {  	s3 =	sld [smem:$0x3FFE];
	_ =	sdelay $0x1  }
0x8a: {  	s1 =	srdreg.scid  }
0x8b: {  	s0 =	sand.u32 $0x1, s1  }
0x8c: {  	s17 =	sshll.u32 s0, $0xA;
	s2 =	sadd.s32 s3, s2  }
0x8d: {  	s2 =	sadd.s32 s2, s17  }
0x8e: {  	[smem:$0x3FC6] =	sst s2  }
0x8f: {  	_ = 	snop  }
0x90: {  	s2 =	sld [smem:$0x3FC9]  }
0x91: {  	s18 =	sld [smem:$0x3FD0];
	(tm) =	ssettm $0x1  }
0x92: {  	s4 =	sld [smem:$0x3FFB];
	_ =	sdelay $0x3  }
0x93: {  	_ =	strace s4  }
0x94: {  	s4 =	sld [smem:$0x3FFC];
	_ =	sdelay $0x3  }
0x95: {  	_ =	strace s4  }
0x96: {  	s4 =	sld [smem:$0x3FFD];
	_ =	sdelay $0x3  }
0x97: {  	_ =	strace s4  }
0x98: {  	_ =	strace $0x8FFFFFFF  }
0x99: {  	s19 =	sld [smem:$0x3FDB];
	_ =	sdelay $0x1  }
0x9a: {  	s5 =	simm.s32 $_scs_section_size  }
0x9b: {  	s6 =	simm.s32 $_size__tile_overlayer_lowered;
	s7 =	simm.s32 $_tile_overlayer_lowered  }
0x9c: {  	s22 =	simm.s32 $0x1BFF;
	s21 =	sshll.u32 s7, $0x1;
	s4 =	sadd.s32 s5, s19  }
0x9d: {  	s8 =	simm.s32 $0x0;
	s20 =	sshll.u32 s6, $0x1;
	s6 =	sadd.s32 s21, s4  }
0x9e: {  	[timem:s8], [sflag:s22] =	dma.local [hbm:s6], s20  }
0x9f: {  	_ =	swait.ge [sflag:s22], s20  }
0xa0: {  	s5 =	ssub.s32 $0x0, s20;
	[sflag:s22] =	ssyncset.done $0x0  }
0xa1: {  	[sflag:s22] =	ssyncadd.s32 s5;
	_ =	sdelay $0x1  }
0xa2: {  	s23 =	simm.s32 $0x1B8B  }
0xa3: {  	_ =	swait.ge [sflag:s23], $0x1  }
0xa4: {  	[sflag:s23] =	ssyncset.done $0x0  }
0xa5: {  	s25 =	simm.s32 $0x1B8E;
	s24 =	sld [smem:$0x3FFE];
	[sflag:s23] =	ssyncadd.s32 $0xFFFFFFFF  }
0xa6: {  	s26 =	simm.s32 $execute0_lowered;
	[smem:$0x3FD2] =	sst s25  }
0xa7: {  	s6 =	sshll.u32 s26, $0x1;
	_ =	strace $0x80000046;
	[dreg:$0x1] =	wrdreg $0xFFFFFFFF  }
0xa8: {  	s28 =	simm.s32 $_size_execute0_lowered;
	s4 =	sadd.s32 s4, s6;
	[dreg:$0x0] =	wrdreg $0x0  }
0xa9: {  	s6 =	sshll.u32 s28, $0x1;
	[dreg:$0x2] =	wrdreg s4  }
0xaa: {  	[dreg:$0x3] =	wrdreg s6  }
0xab: {  	[dreg:$0x4] =	wrdreg $0xC0  }
0xac: {  	_ =	task [dreg:s8], $0x5FFFF  }
0xad: {  	[dreg:$0x1] =	wrdreg $0xFFFFFFFF  }
0xae: {  	[dreg:$0x0] =	wrdreg $0x60  }
0xaf: {  	[dreg:$0x2] =	wrdreg s2  }
0xb0: {  	[dreg:$0x3] =	wrdreg s24  }
0xb1: {  	[dreg:$0x4] =	wrdreg s18  }
0xb2: {  	[dreg:$0x5] =	wrdreg $0x9  }
0xb3: {  	_ =	task.clear_ibuf [dreg:s8], $0x6FFFF;
	_ =	strace $0x90000046  }
0xb4: {  	s29 =	simm.s32 $0x9;
	_ =	strace $0x80000048  }
0xb5: {  	_ =	swait.ge [sflag:s29], $0x1  }
0xb6: {  	[sflag:s29] =	ssyncadd.s32 $0xFFFFFFFF  }
0xb7: {  	_ =	strace $0x90000048  }
0xb8: {  	_ =	sfence  }
0xb9: {  	s30 =	sld [smem:$0x0];
	_ =	sdelay $0x2  }
0xba: {  	s31 =	sshll.u32 s1, $0xD;
	s1 =	sshrl.u32 s1, $0x2  }
0xbb: {  	s3 =	sand.u32 $0x4000, s31;
	s1 =	sadd.s32 s1, s30  }
0xbc: {  	s0 =	sor.u32 s3, s0;
	s1 =	sshll.u32 s1, $0x11  }
0xbd: {  	s0 =	sor.u32 s1, s0  }
0xbe: {  	s0 =	sadd.s32 $0x8F2B, s0  }
0xbf: {  	[sflag:s0] =	ssyncadd.remote.s32 $0x1  }
0xc0: {  	_ =	sfence.sel $0xFFFF  }
0xc1: {  	[dreg:$0x0] =	wrdreg $0xFFFFFFFF;
	(pc) =	sbr.abs _section_cstart, $3  }
0xc2: {  	[dreg:$0x1] =	wrdreg $0xFFFFFFFF  }
0xc3: {  	_ =	task.clear_ibuf [dreg:s8], $0x2FFFF;
	_ =	strace $0x9FFFFFFF  }
0xc4: {  	(tm) =	ssettm $0x7FFFFFFF  }
0xc5: {  	_ =	shalt  }
tec
execute0_lowered:
.L_overlay_start_1:
0x0: {  	(tag) =	ssettag $0x1  }
0x1: {  	s1 =	rddreg [dreg:$0x0]  }
0x2: {  	s0 =	rddreg [dreg:$0x1]  }
0x3: {  	s2 =	rddreg [dreg:$0x2];
	s3 =	simm.s32 $0x0  }
0x4: {  	s4 =	srdreg.scid;
	s11 =	stileid.u32;
	s12 =	simm.s32 $0x7  }
0x5: {  	s13 =	simm.s32 $0x64;
	s14 =	simm.s32 $0x8000;
	s16 =	simm.s32 $0xB200  }
0x6: {  	s18 =	simm.s32 $0xE400;
	s20 =	simm.s32 $0x11600;
	s28 =	simm.s32 $0x4  }
0x7: {  	s29 =	simm.s32 $0x3;
	s30 =	simm.s32 $0x5;
	s31 =	simm.s32 $0x6  }
0x8: {  	s15 =	simm.s32 $0x7F00;
	s17 =	simm.s32 $0x7F80;
	s19 =	simm.s32 $0x0  }
0x9: {  	s6 =	sand.u32 $0x1, s4;
	s21 =	sshll.u32 s11, $0x1;
	s23 =	smul.u32 $0xC8000, s11  }
0xa: {  	[smem:$0x7FF] =	sst s3;
	s4 =	sor.u32 s6, s21;
	s25 =	smul.u32 $0x64000, s6  }
0xb: {  	_ =	strace $0x80000047;
	s7 =	ssub.s32 $0x2, s6;
	s8 =	smul.u32 $0x64000, s4  }
0xc: {  	s5 =	sshll.u32 s4, $0xC;
	s22 =	sshrl.u32 s7, $0x1;
	s9 =	smul.u32 $0x320000, s4  }
0xd: {  	s21 =	simm.s32 $0x1;
	s0 =	sadd.s32 s5, s0;
	s10 =	ssub.s32 s7, s22  }
0xe: {  	s4 =	sadd.s32 $0x400, s0;
	s5 =	sadd.s32 s2, s8;
	s24 =	sshrl.u32 s9, $0x3  }
0xf: {  	s0 =	sadd.s32 s23, s2;
	s10 =	smax.u32 s10, $0x1;
	s23 =	simm.s32 $0x14800  }
0x10: {  	s6 =	sadd.s32 $0xC80, s5;
	s26 =	sadd.s32 s2, s24;
	s0 =	sadd.s32 s25, s0  }
0x11: {  	s25 =	simm.s32 $0x17A00;
	s7 =	sadd.s32 $0x61A80, s26;
	s8 =	sadd.s32 $0x62700, s26  }
0x12: {  	s9 =	sadd.s32 $0x63380, s26;
	s11 =	sadd.s32 $0x1900, s0;
	s26 =	simm.s32 $0x2  }
.LBB2_1:
0x13: {  	[tilespmem:s3], [sflag:$0x7] =	stream.linear.gather [hbm4b:s4+s3], $0x8000, $0x38;
	[tilespmem:$0x1AC00] =	vst v63  }
0x14: {  	_ =	swait.ge [sflag:s12], $0x8000  }
0x15: {  	[sflag:s12] =	ssyncset.done $0x0  }
0x16: {  	[sflag:s12] =	ssyncadd.s32 $0xFFFF8000  }
0x17: {  	[tilespmem:s14], [sflag:$0x1] =	stream.indirect.gather [hbm4b:s1+s13], $0x80, s3, s13, $0xb8;
	[tilespmem:$0x1AC00] =	vst v63  }
0x18: {  	s0 =	simm.s32 $0x80  }
0x19: {  	[tilespmem:s16], [sflag:$0x1] =	stream.indirect.gather [hbm4b:s1+s13], $0x80, s0, s13, $0xb8;
	[tilespmem:$0x1AC00] =	vst v63  }
0x1a: {  	s22 =	simm.s32 $0x100  }
0x1b: {  	[tilespmem:s18], [sflag:$0x2] =	stream.indirect.gather [hbm4b:s1+s13], $0x80, s22, s13, $0xb8;
	[tilespmem:$0x1AC00] =	vst v63  }
0x1c: {  	s24 =	simm.s32 $0x180  }
0x1d: {  	[tilespmem:s20], [sflag:$0x2] =	stream.indirect.gather [hbm4b:s1+s13], $0x80, s24, s13, $0xb8;
	[tilespmem:$0x1AC00] =	vst v63  }
0x1e: {  	_ =	swait.ge [sflag:s21], $0x6400  }
0x1f: {  	[sflag:s21] =	ssyncset.done $0x0  }
0x20: {  	[sflag:s21] =	ssyncadd.s32 $0xFFFF9C00  }
0x21: {  	[hbm4b:s5+s3] =	stream.linear.scatter [tilespmem:s14], [sflag:$0x4], $0x6400, $0x38;
	[tilespmem:$0x1AC00] =	vst v63  }
0x22: {  	s2 =	simm.s32 $0x200  }
0x23: {  	[tilespmem:s23], [sflag:$0x3] =	stream.indirect.gather [hbm4b:s1+s13], $0x80, s2, s13, $0xb8;
	[tilespmem:$0x1AC00] =	vst v63  }
0x24: {  	s22 =	simm.s32 $0x280  }
0x25: {  	[tilespmem:s25], [sflag:$0x3] =	stream.indirect.gather [hbm4b:s1+s13], $0x80, s22, s13, $0xb8;
	[tilespmem:$0x1AC00] =	vst v63  }
0x26: {  	_ =	swait.ge [sflag:s26], $0x6400  }
0x27: {  	[sflag:s26] =	ssyncset.done $0x0  }
0x28: {  	[sflag:s26] =	ssyncadd.s32 $0xFFFF9C00  }
0x29: {  	[hbm4b:s6+s3] =	stream.linear.scatter [tilespmem:s18], [sflag:$0x5], $0x6400, $0x38;
	[tilespmem:$0x1AC00] =	vst v63  }
0x2a: {  	_ =	swait.ge [sflag:s28], $0x6400  }
0x2b: {  	[sflag:s28] =	ssyncset.done $0x0  }
0x2c: {  	s24 =	simm.s32 $0x300;
	[sflag:s28] =	ssyncadd.s32 $0xFFFF9C00  }
0x2d: {  	[tilespmem:s14], [sflag:$0x1] =	stream.indirect.gather [hbm4b:s1+s13], $0x80, s24, s13, $0xb8;
	[tilespmem:$0x1AC00] =	vst v63  }
0x2e: {  	s2 =	simm.s32 $0x380  }
0x2f: {  	[tilespmem:s16], [sflag:$0x1] =	stream.indirect.gather [hbm4b:s1+s13], $0x80, s2, s13, $0xb8;
	[tilespmem:$0x1AC00] =	vst v63  }
0x30: {  	_ =	swait.ge [sflag:s29], $0x6400  }
0x31: {  	[sflag:s29] =	ssyncset.done $0x0  }
0x32: {  	[sflag:s29] =	ssyncadd.s32 $0xFFFF9C00  }
0x33: {  	[hbm4b:s11+s3] =	stream.linear.scatter [tilespmem:s23], [sflag:$0x6], $0x6400, $0x38;
	[tilespmem:$0x1AC00] =	vst v63  }
0x34: {  	_ =	swait.ge [sflag:s30], $0x6400  }
0x35: {  	[sflag:s30] =	ssyncset.done $0x0  }
0x36: {  	s22 =	simm.s32 $0x400;
	[sflag:s30] =	ssyncadd.s32 $0xFFFF9C00  }
0x37: {  	[tilespmem:s18], [sflag:$0x2] =	stream.indirect.gather [hbm4b:s1+s13], $0x80, s22, s13, $0xb8;
	[tilespmem:$0x1AC00] =	vst v63  }
0x38: {  	s24 =	simm.s32 $0x480  }
0x39: {  	[tilespmem:s20], [sflag:$0x2] =	stream.indirect.gather [hbm4b:s1+s13], $0x80, s24, s13, $0xb8;
	[tilespmem:$0x1AC00] =	vst v63  }
0x3a: {  	_ =	swait.ge [sflag:s21], $0x6400  }
0x3b: {  	[sflag:s21] =	ssyncset.done $0x0  }
0x3c: {  	s2 =	sadd.s32 $0xC80, s11;
	[sflag:s21] =	ssyncadd.s32 $0xFFFF9C00  }
0x3d: {  	[hbm4b:s2+s3] =	stream.linear.scatter [tilespmem:s14], [sflag:$0x4], $0x6400, $0x38;
	[tilespmem:$0x1AC00] =	vst v63  }
0x3e: {  	_ =	swait.ge [sflag:s31], $0x6400  }
0x3f: {  	[sflag:s31] =	ssyncset.done $0x0  }
0x40: {  	s22 =	simm.s32 $0x500;
	[sflag:s31] =	ssyncadd.s32 $0xFFFF9C00  }
0x41: {  	[tilespmem:s23], [sflag:$0x3] =	stream.indirect.gather [hbm4b:s1+s13], $0x80, s22, s13, $0xb8;
	[tilespmem:$0x1AC00] =	vst v63  }
0x42: {  	s24 =	simm.s32 $0x580  }
0x43: {  	[tilespmem:s25], [sflag:$0x3] =	stream.indirect.gather [hbm4b:s1+s13], $0x80, s24, s13, $0xb8;
	[tilespmem:$0x1AC00] =	vst v63  }
0x44: {  	_ =	swait.ge [sflag:s26], $0x6400  }
0x45: {  	s0 =	sadd.s32 $0x1900, s11;
	[sflag:s26] =	ssyncset.done $0x0  }
0x46: {  	s22 =	simm.s32 $0xC00;
	s24 =	sadd.s32 $0x2580, s11;
	[sflag:s26] =	ssyncadd.s32 $0xFFFF9C00  }
.LBB2_2:
0x47: {  	[hbm4b:s0+s3] =	stream.linear.scatter [tilespmem:s18], [sflag:$0x5], $0x6400, $0x38;
	[tilespmem:$0x1AC00] =	vst v63  }
0x48: {  	s0 =	smov.u32 s22  }
0x49: {  	p0 =	sne.s32 s22, $0x1E000;
	s22 =	sadd.s32 $0xC00, s22;
	_ =	swait.ge [sflag:s28], $0x6400  }
0x4a: {  	s0 =	sshra.s32 s0, $0x2;
	[sflag:s28] =	ssyncset.done $0x0  }
0x4b: {  	s2 =	sadd.s32 $0x300, s0;
	[sflag:s28] =	ssyncadd.s32 $0xFFFF9C00  }
0x4c: {  	[tilespmem:s14], [sflag:$0x1] =	stream.indirect.gather [hbm4b:s1+s13], $0x80, s2, s13, $0xb8;
	[tilespmem:$0x1AC00] =	vst v63  }
0x4d: {  	s2 =	sadd.s32 $0x380, s0  }
0x4e: {  	[tilespmem:s16], [sflag:$0x1] =	stream.indirect.gather [hbm4b:s1+s13], $0x80, s2, s13, $0xb8;
	[tilespmem:$0x1AC00] =	vst v63  }
0x4f: {  	_ =	swait.ge [sflag:s29], $0x6400  }
0x50: {  	[sflag:s29] =	ssyncset.done $0x0  }
0x51: {  	[sflag:s29] =	ssyncadd.s32 $0xFFFF9C00  }
0x52: {  	[hbm4b:s24+s3] =	stream.linear.scatter [tilespmem:s23], [sflag:$0x6], $0x6400, $0x38;
	[tilespmem:$0x1AC00] =	vst v63  }
0x53: {  	_ =	swait.ge [sflag:s30], $0x6400  }
0x54: {  	[sflag:s30] =	ssyncset.done $0x0  }
0x55: {  	s2 =	sadd.s32 $0x400, s0;
	[sflag:s30] =	ssyncadd.s32 $0xFFFF9C00  }
0x56: {  	[tilespmem:s18], [sflag:$0x2] =	stream.indirect.gather [hbm4b:s1+s13], $0x80, s2, s13, $0xb8;
	[tilespmem:$0x1AC00] =	vst v63  }
0x57: {  	s2 =	sadd.s32 $0x480, s0  }
0x58: {  	[tilespmem:s20], [sflag:$0x2] =	stream.indirect.gather [hbm4b:s1+s13], $0x80, s2, s13, $0xb8;
	[tilespmem:$0x1AC00] =	vst v63  }
0x59: {  	_ =	swait.ge [sflag:s21], $0x6400  }
0x5a: {  	[sflag:s21] =	ssyncset.done $0x0  }
0x5b: {  	s2 =	sadd.s32 $0xC80, s24;
	[sflag:s21] =	ssyncadd.s32 $0xFFFF9C00  }
0x5c: {  	[hbm4b:s2+s3] =	stream.linear.scatter [tilespmem:s14], [sflag:$0x4], $0x6400, $0x38;
	[tilespmem:$0x1AC00] =	vst v63  }
0x5d: {  	_ =	swait.ge [sflag:s31], $0x6400  }
0x5e: {  	[sflag:s31] =	ssyncset.done $0x0  }
0x5f: {  	s2 =	sadd.s32 $0x500, s0;
	[sflag:s31] =	ssyncadd.s32 $0xFFFF9C00  }
0x60: {  	[tilespmem:s23], [sflag:$0x3] =	stream.indirect.gather [hbm4b:s1+s13], $0x80, s2, s13, $0xb8;
	[tilespmem:$0x1AC00] =	vst v63  }
.Ltmp0:
0x61: {  	s0 =	sadd.s32 $0x580, s0;
	(pc) =	sbr.rel @p0 .LBB2_2-.Ltmp0, $4  }
0x62: {  	[tilespmem:s25], [sflag:$0x3] =	stream.indirect.gather [hbm4b:s1+s13], $0x80, s0, s13, $0xb8;
	[tilespmem:$0x1AC00] =	vst v63  }
0x63: {  	_ =	swait.ge [sflag:s26], $0x6400  }
0x64: {  	[sflag:s26] =	ssyncset.done $0x0  }
0x65: {  	s0 =	sadd.s32 $0x1900, s24;
	s24 =	sadd.s32 $0x2580, s24;
	[sflag:s26] =	ssyncadd.s32 $0xFFFF9C00  }
0x66: {  	[hbm4b:s0+s3] =	stream.linear.scatter [tilespmem:s18], [sflag:$0x5], $0x6400, $0x38;
	[tilespmem:$0x1AC00] =	vst v63  }
0x67: {  	_ =	swait.ge [sflag:s28], $0x6400  }
0x68: {  	[sflag:s28] =	ssyncset.done $0x0  }
0x69: {  	s22 =	simm.s32 $0x7E00;
	[sflag:s28] =	ssyncadd.s32 $0xFFFF9C00  }
0x6a: {  	[tilespmem:s14], [sflag:$0x1] =	stream.indirect.gather [hbm4b:s1+s13], $0x80, s22, s13, $0xb8;
	[tilespmem:$0x1AC00] =	vst v63  }
0x6b: {  	s24 =	simm.s32 $0x7E80  }
0x6c: {  	[tilespmem:s16], [sflag:$0x1] =	stream.indirect.gather [hbm4b:s1+s13], $0x80, s24, s13, $0xb8;
	[tilespmem:$0x1AC00] =	vst v63  }
0x6d: {  	_ =	swait.ge [sflag:s29], $0x6400  }
0x6e: {  	[sflag:s29] =	ssyncset.done $0x0  }
0x6f: {  	[sflag:s29] =	ssyncadd.s32 $0xFFFF9C00  }
0x70: {  	[hbm4b:s7+s3] =	stream.linear.scatter [tilespmem:s23], [sflag:$0x6], $0x6400, $0x38;
	[tilespmem:$0x1AC00] =	vst v63  }
0x71: {  	_ =	swait.ge [sflag:s30], $0x6400  }
0x72: {  	[sflag:s30] =	ssyncset.done $0x0  }
0x73: {  	[sflag:s30] =	ssyncadd.s32 $0xFFFF9C00  }
0x74: {  	[tilespmem:s18], [sflag:$0x2] =	stream.indirect.gather [hbm4b:s1+s13], $0x80, s15, s13, $0xb8;
	[tilespmem:$0x1AC00] =	vst v63  }
0x75: {  	_ = 	snop  }
0x76: {  	[tilespmem:s20], [sflag:$0x2] =	stream.indirect.gather [hbm4b:s1+s13], $0x80, s17, s13, $0xb8;
	[tilespmem:$0x1AC00] =	vst v63  }
0x77: {  	_ =	swait.ge [sflag:s21], $0x6400  }
0x78: {  	[sflag:s21] =	ssyncset.done $0x0  }
0x79: {  	[sflag:s21] =	ssyncadd.s32 $0xFFFF9C00  }
0x7a: {  	[hbm4b:s8+s3] =	stream.linear.scatter [tilespmem:s14], [sflag:$0x4], $0x6400, $0x38;
	[tilespmem:$0x1AC00] =	vst v63  }
0x7b: {  	_ =	swait.ge [sflag:s31], $0x6400  }
0x7c: {  	[sflag:s31] =	ssyncset.done $0x0  }
0x7d: {  	[sflag:s31] =	ssyncadd.s32 $0xFFFF9C00  }
0x7e: {  	_ =	swait.ge [sflag:s26], $0x6400  }
0x7f: {  	[sflag:s26] =	ssyncset.done $0x0  }
0x80: {  	s19 =	sadd.s32 $0x1, s19;
	[sflag:s26] =	ssyncadd.s32 $0xFFFF9C00  }
0x81: {  	[hbm4b:s9+s3] =	stream.linear.scatter [tilespmem:s18], [sflag:$0x5], $0x6400, $0x38;
	[tilespmem:$0x1AC00] =	vst v63  }
0x82: {  	p0 =	sne.s32 s19, s10;
	_ =	swait.ge [sflag:s28], $0x6400  }
.Ltmp1:
0x83: {  	[sflag:s28] =	ssyncset.done $0x0;
	(pc) =	sbr.rel @p0 .LBB2_1-.Ltmp1, $4  }
0x84: {  	[sflag:s28] =	ssyncadd.s32 $0xFFFF9C00  }
0x85: {  	_ =	swait.ge [sflag:s30], $0x6400  }
0x86: {  	[sflag:s30] =	ssyncset.done $0x0  }
0x87: {  	[sflag:s30] =	ssyncadd.s32 $0xFFFF9C00  }
0x88: {  	_ =	sfence.sel $0x180000  }
0x89: {  	[bflag:$0x0] =	sbarrier.arrive $0xFFFF  }
0x8a: {  	_ =	strace $0x90000047  }
0x8b: {  	s0 =	stileid.u32;
	[bflag:$0x2] =	sbarrier.arrive $0xFFFF  }
0x8c: {  	p0 =	sne.s32 s0, $0x0;
	s0 =	rddreg [dreg:$0x3]  }
0x8d: {  	s0 =	sadd.s32 @!p0 $0x100000, s0  }
0x8e: {  	[sflag:s0] =	ssyncadd.tile.s32 @!p0 $0x1;
	_ =	shalt  }
.Lfunc_end2:
_tile_overlayer_lowered:
.L_overlay_start_2:
0x8f: {  	(tag) =	ssettag $0x2  }
0x90: {  	s0 =	rddreg [dreg:$0x0];
	s2 =	stileid.u32  }
0x91: {  	s1 =	rddreg [dreg:$0x1];
	p0 =	sne.s32 s2, $0x0  }
0x92: {  	s3 =	rddreg [dreg:$0x2];
	[bflag:$0x3] =	sbarrier.arrive $0xFFFF;
	s2 =	simm.s32 @!p0 $0x1C07  }
0x93: {  	[timem:s3], [sflag:s2] =	dma.local @!p0 [hbm:s0], s1  }
0x94: {  	s0 =	simm.s32 @!p0 $0x7  }
0x95: {  	_ =	swait.ge @!p0 [sflag:s0], s1  }
0x96: {  	s1 =	ssub.s32 @!p0 $0x0, s1;
	[sflag:s0] =	ssyncset.done @!p0 $0x0  }
0x97: {  	[sflag:s0] =	ssyncadd.s32 @!p0 s1  }
0x98: {  	[bflag:$0x3] =	sbarrier.arrive $0xFFFF  }
0x99: {  	_ =	shalt  }

</sc_bundles>
